<compile_context>
chip_gen: v7x
topology: tpu7x:2x2x1
jax: 0.10.2.dev20260603
libtpu: 0.0.44.dev20260713+nightly
codegen_flags: <defaults>
</compile_context>

<pallas_src>
import jax
import jax.numpy as jnp
from jax import lax
from jax.experimental import pallas as pl
from jax.experimental.pallas import tpu as pltpu
from jax.experimental.pallas import tpu_sc as plsc

D_MODEL = 1024
NC = 2
NS = 16
NW = NC * NS

CHUNK = 8
NBUF = 12
NSB = 3


def _gather_kernel(table_hbm, idx_hbm, out_hbm, idx_v, rows_v, shared, gsem, xsem, ssem):
    b_per_w = idx_hbm.shape[0] // NW
    n_chunks = b_per_w // CHUNK
    sid = lax.axis_index("s")
    wid = sid * NC + lax.axis_index("c")
    base = wid * b_per_w
    pltpu.sync_copy(idx_hbm.at[pl.ds(base, b_per_w)], idx_v)

    def buf(m):
        return rows_v.at[pl.ds(m * CHUNK, CHUNK)]

    def slot(q):
        return shared.at[pl.ds((sid * NSB + q) * CHUNK, CHUNK)]

    def idxs(g):
        return idx_v.at[pl.ds(g * CHUNK, CHUNK)]

    def gather_copy(g, m):
        return pltpu.make_async_copy(table_hbm.at[idxs(g)], buf(m), gsem.at[m])

    def x_copy(m, q):
        return pltpu.make_async_copy(buf(m), slot(q), xsem.at[q])

    def drain_copy(g, q):
        return pltpu.make_async_copy(
            slot(q), out_hbm.at[pl.ds(base + g * CHUNK, CHUNK)], ssem.at[q]
        )

    for p in range(NBUF - 1):
        gather_copy(p, p).start()

    def body(g, carry):
        m = g % NBUF
        mp = (g + NBUF - 1) % NBUF
        q = g % NSB
        pq = (g + NSB - 1) % NSB
        gather_copy(g, m).wait()
        pl.when(g >= NSB)(lambda: drain_copy(g - NSB, q).wait())
        x_copy(m, q).start()
        pl.when(g >= 1)(lambda: x_copy(mp, pq).wait())
        pl.when(g >= 1)(lambda: drain_copy(g - 1, pq).start())
        pl.when(g < n_chunks - (NBUF - 1))(
            lambda: gather_copy(g + NBUF - 1, mp).start()
        )
        return carry

    lax.fori_loop(0, n_chunks, body, 0)

    gl = n_chunks - 1
    x_copy(gl % NBUF, gl % NSB).wait()
    drain_copy(gl, gl % NSB).start()
    for j in range(n_chunks - NSB, n_chunks):
        drain_copy(j, j % NSB).wait()


def kernel(position_ids, table):
    batch, seq = position_ids.shape
    n = batch * seq
    b_per_w = n // NW
    idx_flat = position_ids.reshape(n).astype(jnp.int32)

    k = pl.kernel(
        _gather_kernel,
        out_type=jax.ShapeDtypeStruct((n, D_MODEL), jnp.float32),
        mesh=plsc.VectorSubcoreMesh(core_axis_name="c", subcore_axis_name="s"),
        scratch_types=[
            pltpu.VMEM((b_per_w,), jnp.int32),
            pltpu.VMEM((NBUF * CHUNK, D_MODEL), jnp.float32),
            pltpu.VMEM_SHARED((NS * NSB * CHUNK, D_MODEL), jnp.float32),
            pltpu.SemaphoreType.DMA((NBUF,)),
            pltpu.SemaphoreType.DMA((NSB,)),
            pltpu.SemaphoreType.DMA((NSB,)),
        ],
    )
    out = k(table, idx_flat)
    return out.reshape(batch, seq, D_MODEL)

# --- scband reference (transcript-rebuilt; emitter-appended) ---
"""Pipeline reference for scband-position-embeddings-50989851738311 (READ-ONLY COPY).

The authoritative reference and input builder live on the scoring server;
editing this copy changes nothing except your own understanding.
"""

import jax, jax.numpy as jnp
import numpy as np

MAX_POS = 8192
D_MODEL = 1024
BATCH = 4
SEQ = 8192

def setup_inputs(seed: int = 0) -> dict:
    key = jax.random.key(seed)
    k1, k2 = jax.random.split(key)
    position_ids = jax.random.randint(k1, (BATCH, SEQ), 0, MAX_POS, dtype=jnp.int64 if jax.config.jax_enable_x64 else jnp.int32)
    table = jax.random.normal(k2, (MAX_POS, D_MODEL), dtype=jnp.float32) * 0.02
    return {"position_ids": position_ids, "table": table}

def reference(position_ids, table):
    # Embedding lookup (gather rows of the position-embedding table).
    position_embeddings = jnp.take(table, position_ids, axis=0)
    # Dropout is identity in eval/inference mode (deterministic reference).
    return position_embeddings

if __name__ == "__main__":
    import jax
    _d = setup_inputs()
    print(jax.jit(kernel)(*tuple(_d.values())))

</pallas_src>

<mosaic_0001>
#map = affine_map<(d0, d1) -> (0, 0)>
#map1 = affine_map<(d0, d1) -> (0)>
module attributes {stable_mosaic.version = 14 : i64} {
  func.func @_gather_kernel(%arg0: i32, %arg1: i32, %arg2: memref<8192x1024xf32, #tpu.memory_space<hbm>>, %arg3: memref<32768xi32, #tpu.memory_space<hbm>>, %arg4: memref<32768x1024xf32, #tpu.memory_space<hbm>>, %arg5: memref<1024xi32, #tpu.memory_space<vmem>>, %arg6: memref<96x1024xf32, #tpu.memory_space<vmem>>, %arg7: memref<384x1024xf32, #tpu.memory_space<vmem_shared>>, %arg8: memref<12x!tpu.dma_semaphore, #tpu.memory_space<semaphore_mem>>, %arg9: memref<3x!tpu.dma_semaphore, #tpu.memory_space<semaphore_mem>>, %arg10: memref<3x!tpu.dma_semaphore, #tpu.memory_space<semaphore_mem>>) attributes {dimension_semantics = [#tpu.dimension_semantics<core_parallel>, #tpu.dimension_semantics<subcore_parallel>], iteration_bounds = array<i64: 2, 16>, scalar_prefetch = 0 : i64, scratch_operands = 6 : i64, tpu.core_type = #tpu.core_type<sc_vector_subcore>, window_params = [{transform_indices = #map}, {transform_indices = #map1}, {transform_indices = #map}]} {
    %mul3A = arith.constant 2 : i32
    %mul3A_0 = arith.muli %arg1, %mul3A : i32
    %add3A = arith.addi %mul3A_0, %arg0 : i32
    %mul3A_1 = arith.constant 1024 : i32
    %mul3A_2 = arith.muli %add3A, %mul3A_1 : i32
    "tpu.region"() ({
      %run_scoped3A = tpu.sem_alloc : memref<!tpu.dma_semaphore, #tpu.memory_space<semaphore_mem>>
      %dma_start3A_206 = tpu.memref_slice %arg3[%mul3A_2] : memref<32768xi32, #tpu.memory_space<hbm>> -> memref<1024xi32, #tpu.memory_space<hbm>>
      %dma_start3A_207 = tpu.memref_slice %arg3[%mul3A_2] : memref<32768xi32, #tpu.memory_space<hbm>> -> memref<1024xi32, #tpu.memory_space<hbm>>
      tpu.enqueue_dma source(%dma_start3A_207 : memref<1024xi32, #tpu.memory_space<hbm>>) target(%arg5 : memref<1024xi32, #tpu.memory_space<vmem>>) target_semaphore(%run_scoped3A : memref<!tpu.dma_semaphore, #tpu.memory_space<semaphore_mem>>)
      %dma_wait3A_208 = tpu.memref_slice %arg3[%mul3A_2] : memref<32768xi32, #tpu.memory_space<hbm>> -> memref<1024xi32, #tpu.memory_space<hbm>>
      %dma_wait3A_209 = tpu.memref_slice %arg3[%mul3A_2] : memref<32768xi32, #tpu.memory_space<hbm>> -> memref<1024xi32, #tpu.memory_space<hbm>>
      tpu.wait_dma2 semaphore(%run_scoped3A : memref<!tpu.dma_semaphore, #tpu.memory_space<semaphore_mem>>) src(%dma_wait3A_209 : memref<1024xi32, #tpu.memory_space<hbm>>) dst(%arg5 : memref<1024xi32, #tpu.memory_space<vmem>>)
      tpu.yield
    }) : () -> ()
    %dma_start3A = arith.constant 0 : i32
    %dma_start3A_3 = arith.constant 0 : i32
    %dma_start3A_4 = arith.constant 0 : i32
    %dma_start3A_5 = tpu.memref_slice %arg6[%dma_start3A_3, %dma_start3A_4] : memref<96x1024xf32, #tpu.memory_space<vmem>> -> memref<8x1024xf32, #tpu.memory_space<vmem>>
    %dma_start3A_6 = arith.constant 0 : i32
    %dma_start3A_7 = tpu.memref_slice %arg5[%dma_start3A_6] : memref<1024xi32, #tpu.memory_space<vmem>> -> memref<8xi32, #tpu.memory_space<vmem>>
    %dma_start3A_8 = arith.constant 0 : i32
    %dma_start3A_9 = arith.constant 0 : i32
    %dma_start3A_10 = tpu.memref_slice %arg2[%dma_start3A_8, %dma_start3A_9] : memref<8192x1024xf32, #tpu.memory_space<hbm>> -> memref<8192x1024xf32, #tpu.memory_space<hbm>>
    %dma_start3A_11 = tpu.memref_slice %arg8[%dma_start3A] : memref<12x!tpu.dma_semaphore, #tpu.memory_space<semaphore_mem>> -> memref<1x!tpu.dma_semaphore, #tpu.memory_space<semaphore_mem>>
    %dma_start3A_12 = tpu.memref_squeeze %dma_start3A_11 : memref<1x!tpu.dma_semaphore, #tpu.memory_space<semaphore_mem>> -> memref<!tpu.dma_semaphore, #tpu.memory_space<semaphore_mem>>
    tpu.enqueue_indirect_dma source(%dma_start3A_10 : memref<8192x1024xf32, #tpu.memory_space<hbm>>) target(%dma_start3A_5 : memref<8x1024xf32, #tpu.memory_space<vmem>>) offsets(%dma_start3A_7 : memref<8xi32, #tpu.memory_space<vmem>>) semaphore(%dma_start3A_12 : memref<!tpu.dma_semaphore, #tpu.memory_space<semaphore_mem>>)
    %dma_start3A_13 = arith.constant 1 : i32
    %dma_start3A_14 = arith.constant 8 : i32
    %dma_start3A_15 = arith.constant 0 : i32
    %dma_start3A_16 = tpu.memref_slice %arg6[%dma_start3A_14, %dma_start3A_15] : memref<96x1024xf32, #tpu.memory_space<vmem>> -> memref<8x1024xf32, #tpu.memory_space<vmem>>
    %dma_start3A_17 = arith.constant 8 : i32
    %dma_start3A_18 = tpu.memref_slice %arg5[%dma_start3A_17] : memref<1024xi32, #tpu.memory_space<vmem>> -> memref<8xi32, #tpu.memory_space<vmem>>
    %dma_start3A_19 = arith.constant 0 : i32
    %dma_start3A_20 = arith.constant 0 : i32
    %dma_start3A_21 = tpu.memref_slice %arg2[%dma_start3A_19, %dma_start3A_20] : memref<8192x1024xf32, #tpu.memory_space<hbm>> -> memref<8192x1024xf32, #tpu.memory_space<hbm>>
    %dma_start3A_22 = tpu.memref_slice %arg8[%dma_start3A_13] : memref<12x!tpu.dma_semaphore, #tpu.memory_space<semaphore_mem>> -> memref<1x!tpu.dma_semaphore, #tpu.memory_space<semaphore_mem>>
    %dma_start3A_23 = tpu.memref_squeeze %dma_start3A_22 : memref<1x!tpu.dma_semaphore, #tpu.memory_space<semaphore_mem>> -> memref<!tpu.dma_semaphore, #tpu.memory_space<semaphore_mem>>
    tpu.enqueue_indirect_dma source(%dma_start3A_21 : memref<8192x1024xf32, #tpu.memory_space<hbm>>) target(%dma_start3A_16 : memref<8x1024xf32, #tpu.memory_space<vmem>>) offsets(%dma_start3A_18 : memref<8xi32, #tpu.memory_space<vmem>>) semaphore(%dma_start3A_23 : memref<!tpu.dma_semaphore, #tpu.memory_space<semaphore_mem>>)
    %dma_start3A_24 = arith.constant 2 : i32
    %dma_start3A_25 = arith.constant 16 : i32
    %dma_start3A_26 = arith.constant 0 : i32
    %dma_start3A_27 = tpu.memref_slice %arg6[%dma_start3A_25, %dma_start3A_26] : memref<96x1024xf32, #tpu.memory_space<vmem>> -> memref<8x1024xf32, #tpu.memory_space<vmem>>
    %dma_start3A_28 = arith.constant 16 : i32
    %dma_start3A_29 = tpu.memref_slice %arg5[%dma_start3A_28] : memref<1024xi32, #tpu.memory_space<vmem>> -> memref<8xi32, #tpu.memory_space<vmem>>
    %dma_start3A_30 = arith.constant 0 : i32
    %dma_start3A_31 = arith.constant 0 : i32
    %dma_start3A_32 = tpu.memref_slice %arg2[%dma_start3A_30, %dma_start3A_31] : memref<8192x1024xf32, #tpu.memory_space<hbm>> -> memref<8192x1024xf32, #tpu.memory_space<hbm>>
    %dma_start3A_33 = tpu.memref_slice %arg8[%dma_start3A_24] : memref<12x!tpu.dma_semaphore, #tpu.memory_space<semaphore_mem>> -> memref<1x!tpu.dma_semaphore, #tpu.memory_space<semaphore_mem>>
    %dma_start3A_34 = tpu.memref_squeeze %dma_start3A_33 : memref<1x!tpu.dma_semaphore, #tpu.memory_space<semaphore_mem>> -> memref<!tpu.dma_semaphore, #tpu.memory_space<semaphore_mem>>
    tpu.enqueue_indirect_dma source(%dma_start3A_32 : memref<8192x1024xf32, #tpu.memory_space<hbm>>) target(%dma_start3A_27 : memref<8x1024xf32, #tpu.memory_space<vmem>>) offsets(%dma_start3A_29 : memref<8xi32, #tpu.memory_space<vmem>>) semaphore(%dma_start3A_34 : memref<!tpu.dma_semaphore, #tpu.memory_space<semaphore_mem>>)
    %dma_start3A_35 = arith.constant 3 : i32
    %dma_start3A_36 = arith.constant 24 : i32
    %dma_start3A_37 = arith.constant 0 : i32
    %dma_start3A_38 = tpu.memref_slice %arg6[%dma_start3A_36, %dma_start3A_37] : memref<96x1024xf32, #tpu.memory_space<vmem>> -> memref<8x1024xf32, #tpu.memory_space<vmem>>
    %dma_start3A_39 = arith.constant 24 : i32
    %dma_start3A_40 = tpu.memref_slice %arg5[%dma_start3A_39] : memref<1024xi32, #tpu.memory_space<vmem>> -> memref<8xi32, #tpu.memory_space<vmem>>
    %dma_start3A_41 = arith.constant 0 : i32
    %dma_start3A_42 = arith.constant 0 : i32
    %dma_start3A_43 = tpu.memref_slice %arg2[%dma_start3A_41, %dma_start3A_42] : memref<8192x1024xf32, #tpu.memory_space<hbm>> -> memref<8192x1024xf32, #tpu.memory_space<hbm>>
    %dma_start3A_44 = tpu.memref_slice %arg8[%dma_start3A_35] : memref<12x!tpu.dma_semaphore, #tpu.memory_space<semaphore_mem>> -> memref<1x!tpu.dma_semaphore, #tpu.memory_space<semaphore_mem>>
    %dma_start3A_45 = tpu.memref_squeeze %dma_start3A_44 : memref<1x!tpu.dma_semaphore, #tpu.memory_space<semaphore_mem>> -> memref<!tpu.dma_semaphore, #tpu.memory_space<semaphore_mem>>
    tpu.enqueue_indirect_dma source(%dma_start3A_43 : memref<8192x1024xf32, #tpu.memory_space<hbm>>) target(%dma_start3A_38 : memref<8x1024xf32, #tpu.memory_space<vmem>>) offsets(%dma_start3A_40 : memref<8xi32, #tpu.memory_space<vmem>>) semaphore(%dma_start3A_45 : memref<!tpu.dma_semaphore, #tpu.memory_space<semaphore_mem>>)
    %dma_start3A_46 = arith.constant 4 : i32
    %dma_start3A_47 = arith.constant 32 : i32
    %dma_start3A_48 = arith.constant 0 : i32
    %dma_start3A_49 = tpu.memref_slice %arg6[%dma_start3A_47, %dma_start3A_48] : memref<96x1024xf32, #tpu.memory_space<vmem>> -> memref<8x1024xf32, #tpu.memory_space<vmem>>
    %dma_start3A_50 = arith.constant 32 : i32
    %dma_start3A_51 = tpu.memref_slice %arg5[%dma_start3A_50] : memref<1024xi32, #tpu.memory_space<vmem>> -> memref<8xi32, #tpu.memory_space<vmem>>
    %dma_start3A_52 = arith.constant 0 : i32
    %dma_start3A_53 = arith.constant 0 : i32
    %dma_start3A_54 = tpu.memref_slice %arg2[%dma_start3A_52, %dma_start3A_53] : memref<8192x1024xf32, #tpu.memory_space<hbm>> -> memref<8192x1024xf32, #tpu.memory_space<hbm>>
    %dma_start3A_55 = tpu.memref_slice %arg8[%dma_start3A_46] : memref<12x!tpu.dma_semaphore, #tpu.memory_space<semaphore_mem>> -> memref<1x!tpu.dma_semaphore, #tpu.memory_space<semaphore_mem>>
    %dma_start3A_56 = tpu.memref_squeeze %dma_start3A_55 : memref<1x!tpu.dma_semaphore, #tpu.memory_space<semaphore_mem>> -> memref<!tpu.dma_semaphore, #tpu.memory_space<semaphore_mem>>
    tpu.enqueue_indirect_dma source(%dma_start3A_54 : memref<8192x1024xf32, #tpu.memory_space<hbm>>) target(%dma_start3A_49 : memref<8x1024xf32, #tpu.memory_space<vmem>>) offsets(%dma_start3A_51 : memref<8xi32, #tpu.memory_space<vmem>>) semaphore(%dma_start3A_56 : memref<!tpu.dma_semaphore, #tpu.memory_space<semaphore_mem>>)
    %dma_start3A_57 = arith.constant 5 : i32
    %dma_start3A_58 = arith.constant 40 : i32
    %dma_start3A_59 = arith.constant 0 : i32
    %dma_start3A_60 = tpu.memref_slice %arg6[%dma_start3A_58, %dma_start3A_59] : memref<96x1024xf32, #tpu.memory_space<vmem>> -> memref<8x1024xf32, #tpu.memory_space<vmem>>
    %dma_start3A_61 = arith.constant 40 : i32
    %dma_start3A_62 = tpu.memref_slice %arg5[%dma_start3A_61] : memref<1024xi32, #tpu.memory_space<vmem>> -> memref<8xi32, #tpu.memory_space<vmem>>
    %dma_start3A_63 = arith.constant 0 : i32
    %dma_start3A_64 = arith.constant 0 : i32
    %dma_start3A_65 = tpu.memref_slice %arg2[%dma_start3A_63, %dma_start3A_64] : memref<8192x1024xf32, #tpu.memory_space<hbm>> -> memref<8192x1024xf32, #tpu.memory_space<hbm>>
    %dma_start3A_66 = tpu.memref_slice %arg8[%dma_start3A_57] : memref<12x!tpu.dma_semaphore, #tpu.memory_space<semaphore_mem>> -> memref<1x!tpu.dma_semaphore, #tpu.memory_space<semaphore_mem>>
    %dma_start3A_67 = tpu.memref_squeeze %dma_start3A_66 : memref<1x!tpu.dma_semaphore, #tpu.memory_space<semaphore_mem>> -> memref<!tpu.dma_semaphore, #tpu.memory_space<semaphore_mem>>
    tpu.enqueue_indirect_dma source(%dma_start3A_65 : memref<8192x1024xf32, #tpu.memory_space<hbm>>) target(%dma_start3A_60 : memref<8x1024xf32, #tpu.memory_space<vmem>>) offsets(%dma_start3A_62 : memref<8xi32, #tpu.memory_space<vmem>>) semaphore(%dma_start3A_67 : memref<!tpu.dma_semaphore, #tpu.memory_space<semaphore_mem>>)
    %dma_start3A_68 = arith.constant 6 : i32
    %dma_start3A_69 = arith.constant 48 : i32
    %dma_start3A_70 = arith.constant 0 : i32
    %dma_start3A_71 = tpu.memref_slice %arg6[%dma_start3A_69, %dma_start3A_70] : memref<96x1024xf32, #tpu.memory_space<vmem>> -> memref<8x1024xf32, #tpu.memory_space<vmem>>
    %dma_start3A_72 = arith.constant 48 : i32
    %dma_start3A_73 = tpu.memref_slice %arg5[%dma_start3A_72] : memref<1024xi32, #tpu.memory_space<vmem>> -> memref<8xi32, #tpu.memory_space<vmem>>
    %dma_start3A_74 = arith.constant 0 : i32
    %dma_start3A_75 = arith.constant 0 : i32
    %dma_start3A_76 = tpu.memref_slice %arg2[%dma_start3A_74, %dma_start3A_75] : memref<8192x1024xf32, #tpu.memory_space<hbm>> -> memref<8192x1024xf32, #tpu.memory_space<hbm>>
    %dma_start3A_77 = tpu.memref_slice %arg8[%dma_start3A_68] : memref<12x!tpu.dma_semaphore, #tpu.memory_space<semaphore_mem>> -> memref<1x!tpu.dma_semaphore, #tpu.memory_space<semaphore_mem>>
    %dma_start3A_78 = tpu.memref_squeeze %dma_start3A_77 : memref<1x!tpu.dma_semaphore, #tpu.memory_space<semaphore_mem>> -> memref<!tpu.dma_semaphore, #tpu.memory_space<semaphore_mem>>
    tpu.enqueue_indirect_dma source(%dma_start3A_76 : memref<8192x1024xf32, #tpu.memory_space<hbm>>) target(%dma_start3A_71 : memref<8x1024xf32, #tpu.memory_space<vmem>>) offsets(%dma_start3A_73 : memref<8xi32, #tpu.memory_space<vmem>>) semaphore(%dma_start3A_78 : memref<!tpu.dma_semaphore, #tpu.memory_space<semaphore_mem>>)
    %dma_start3A_79 = arith.constant 7 : i32
    %dma_start3A_80 = arith.constant 56 : i32
    %dma_start3A_81 = arith.constant 0 : i32
    %dma_start3A_82 = tpu.memref_slice %arg6[%dma_start3A_80, %dma_start3A_81] : memref<96x1024xf32, #tpu.memory_space<vmem>> -> memref<8x1024xf32, #tpu.memory_space<vmem>>
    %dma_start3A_83 = arith.constant 56 : i32
    %dma_start3A_84 = tpu.memref_slice %arg5[%dma_start3A_83] : memref<1024xi32, #tpu.memory_space<vmem>> -> memref<8xi32, #tpu.memory_space<vmem>>
    %dma_start3A_85 = arith.constant 0 : i32
    %dma_start3A_86 = arith.constant 0 : i32
    %dma_start3A_87 = tpu.memref_slice %arg2[%dma_start3A_85, %dma_start3A_86] : memref<8192x1024xf32, #tpu.memory_space<hbm>> -> memref<8192x1024xf32, #tpu.memory_space<hbm>>
    %dma_start3A_88 = tpu.memref_slice %arg8[%dma_start3A_79] : memref<12x!tpu.dma_semaphore, #tpu.memory_space<semaphore_mem>> -> memref<1x!tpu.dma_semaphore, #tpu.memory_space<semaphore_mem>>
    %dma_start3A_89 = tpu.memref_squeeze %dma_start3A_88 : memref<1x!tpu.dma_semaphore, #tpu.memory_space<semaphore_mem>> -> memref<!tpu.dma_semaphore, #tpu.memory_space<semaphore_mem>>
    tpu.enqueue_indirect_dma source(%dma_start3A_87 : memref<8192x1024xf32, #tpu.memory_space<hbm>>) target(%dma_start3A_82 : memref<8x1024xf32, #tpu.memory_space<vmem>>) offsets(%dma_start3A_84 : memref<8xi32, #tpu.memory_space<vmem>>) semaphore(%dma_start3A_89 : memref<!tpu.dma_semaphore, #tpu.memory_space<semaphore_mem>>)
    %dma_start3A_90 = arith.constant 8 : i32
    %dma_start3A_91 = arith.constant 64 : i32
    %dma_start3A_92 = arith.constant 0 : i32
    %dma_start3A_93 = tpu.memref_slice %arg6[%dma_start3A_91, %dma_start3A_92] : memref<96x1024xf32, #tpu.memory_space<vmem>> -> memref<8x1024xf32, #tpu.memory_space<vmem>>
    %dma_start3A_94 = arith.constant 64 : i32
    %dma_start3A_95 = tpu.memref_slice %arg5[%dma_start3A_94] : memref<1024xi32, #tpu.memory_space<vmem>> -> memref<8xi32, #tpu.memory_space<vmem>>
    %dma_start3A_96 = arith.constant 0 : i32
    %dma_start3A_97 = arith.constant 0 : i32
    %dma_start3A_98 = tpu.memref_slice %arg2[%dma_start3A_96, %dma_start3A_97] : memref<8192x1024xf32, #tpu.memory_space<hbm>> -> memref<8192x1024xf32, #tpu.memory_space<hbm>>
    %dma_start3A_99 = tpu.memref_slice %arg8[%dma_start3A_90] : memref<12x!tpu.dma_semaphore, #tpu.memory_space<semaphore_mem>> -> memref<1x!tpu.dma_semaphore, #tpu.memory_space<semaphore_mem>>
    %dma_start3A_100 = tpu.memref_squeeze %dma_start3A_99 : memref<1x!tpu.dma_semaphore, #tpu.memory_space<semaphore_mem>> -> memref<!tpu.dma_semaphore, #tpu.memory_space<semaphore_mem>>
    tpu.enqueue_indirect_dma source(%dma_start3A_98 : memref<8192x1024xf32, #tpu.memory_space<hbm>>) target(%dma_start3A_93 : memref<8x1024xf32, #tpu.memory_space<vmem>>) offsets(%dma_start3A_95 : memref<8xi32, #tpu.memory_space<vmem>>) semaphore(%dma_start3A_100 : memref<!tpu.dma_semaphore, #tpu.memory_space<semaphore_mem>>)
    %dma_start3A_101 = arith.constant 9 : i32
    %dma_start3A_102 = arith.constant 72 : i32
    %dma_start3A_103 = arith.constant 0 : i32
    %dma_start3A_104 = tpu.memref_slice %arg6[%dma_start3A_102, %dma_start3A_103] : memref<96x1024xf32, #tpu.memory_space<vmem>> -> memref<8x1024xf32, #tpu.memory_space<vmem>>
    %dma_start3A_105 = arith.constant 72 : i32
    %dma_start3A_106 = tpu.memref_slice %arg5[%dma_start3A_105] : memref<1024xi32, #tpu.memory_space<vmem>> -> memref<8xi32, #tpu.memory_space<vmem>>
    %dma_start3A_107 = arith.constant 0 : i32
    %dma_start3A_108 = arith.constant 0 : i32
    %dma_start3A_109 = tpu.memref_slice %arg2[%dma_start3A_107, %dma_start3A_108] : memref<8192x1024xf32, #tpu.memory_space<hbm>> -> memref<8192x1024xf32, #tpu.memory_space<hbm>>
    %dma_start3A_110 = tpu.memref_slice %arg8[%dma_start3A_101] : memref<12x!tpu.dma_semaphore, #tpu.memory_space<semaphore_mem>> -> memref<1x!tpu.dma_semaphore, #tpu.memory_space<semaphore_mem>>
    %dma_start3A_111 = tpu.memref_squeeze %dma_start3A_110 : memref<1x!tpu.dma_semaphore, #tpu.memory_space<semaphore_mem>> -> memref<!tpu.dma_semaphore, #tpu.memory_space<semaphore_mem>>
    tpu.enqueue_indirect_dma source(%dma_start3A_109 : memref<8192x1024xf32, #tpu.memory_space<hbm>>) target(%dma_start3A_104 : memref<8x1024xf32, #tpu.memory_space<vmem>>) offsets(%dma_start3A_106 : memref<8xi32, #tpu.memory_space<vmem>>) semaphore(%dma_start3A_111 : memref<!tpu.dma_semaphore, #tpu.memory_space<semaphore_mem>>)
    %dma_start3A_112 = arith.constant 10 : i32
    %dma_start3A_113 = arith.constant 80 : i32
    %dma_start3A_114 = arith.constant 0 : i32
    %dma_start3A_115 = tpu.memref_slice %arg6[%dma_start3A_113, %dma_start3A_114] : memref<96x1024xf32, #tpu.memory_space<vmem>> -> memref<8x1024xf32, #tpu.memory_space<vmem>>
    %dma_start3A_116 = arith.constant 80 : i32
    %dma_start3A_117 = tpu.memref_slice %arg5[%dma_start3A_116] : memref<1024xi32, #tpu.memory_space<vmem>> -> memref<8xi32, #tpu.memory_space<vmem>>
    %dma_start3A_118 = arith.constant 0 : i32
    %dma_start3A_119 = arith.constant 0 : i32
    %dma_start3A_120 = tpu.memref_slice %arg2[%dma_start3A_118, %dma_start3A_119] : memref<8192x1024xf32, #tpu.memory_space<hbm>> -> memref<8192x1024xf32, #tpu.memory_space<hbm>>
    %dma_start3A_121 = tpu.memref_slice %arg8[%dma_start3A_112] : memref<12x!tpu.dma_semaphore, #tpu.memory_space<semaphore_mem>> -> memref<1x!tpu.dma_semaphore, #tpu.memory_space<semaphore_mem>>
    %dma_start3A_122 = tpu.memref_squeeze %dma_start3A_121 : memref<1x!tpu.dma_semaphore, #tpu.memory_space<semaphore_mem>> -> memref<!tpu.dma_semaphore, #tpu.memory_space<semaphore_mem>>
    tpu.enqueue_indirect_dma source(%dma_start3A_120 : memref<8192x1024xf32, #tpu.memory_space<hbm>>) target(%dma_start3A_115 : memref<8x1024xf32, #tpu.memory_space<vmem>>) offsets(%dma_start3A_117 : memref<8xi32, #tpu.memory_space<vmem>>) semaphore(%dma_start3A_122 : memref<!tpu.dma_semaphore, #tpu.memory_space<semaphore_mem>>)
    %scan3A = arith.constant 0 : i32
    %scan3A_123 = arith.constant 0 : i32
    %scan3A_124 = arith.constant 128 : i32
    %scan3A_125 = arith.addi %scan3A_123, %scan3A_124 : i32
    %scan3A_126 = arith.constant 1 : i32
    scf.for %scan3A_206 = %scan3A_123 to %scan3A_125 step %scan3A_126  : i32 {
      %jit3A = arith.constant 12 : i32
      %eq3A = arith.constant 0 : i32
      %eq3A_207 = arith.cmpi eq, %jit3A, %eq3A : i32
      %jit3A_208 = arith.constant 1 : i32
      %select_n3A = arith.select %eq3A_207, %jit3A_208, %jit3A : i32
      %rem3A = arith.remsi %scan3A_206, %select_n3A : i32
      %ne3A = arith.constant 0 : i32
      %ne3A_209 = arith.cmpi ne, %rem3A, %ne3A : i32
      %lt3A = arith.constant 0 : i32
      %lt3A_210 = arith.cmpi slt, %rem3A, %lt3A : i32
      %lt3A_211 = arith.constant 0 : i32
      %lt3A_212 = arith.cmpi slt, %select_n3A, %lt3A_211 : i32
      %ne3A_213 = arith.xori %lt3A_210, %lt3A_212 : i1
      %and3A = arith.andi %ne3A_213, %ne3A_209 : i1
      %add3A_214 = arith.addi %rem3A, %select_n3A : i32
      %select_n3A_215 = arith.select %and3A, %add3A_214, %rem3A : i32
      %add3A_216 = arith.constant 12 : i32
      %add3A_217 = arith.addi %scan3A_206, %add3A_216 : i32
      %sub3A = arith.constant 1 : i32
      %sub3A_218 = arith.subi %add3A_217, %sub3A : i32
      %jit3A_219 = arith.constant 12 : i32
      %eq3A_220 = arith.constant 0 : i32
      %eq3A_221 = arith.cmpi eq, %jit3A_219, %eq3A_220 : i32
      %jit3A_222 = arith.constant 1 : i32
      %select_n3A_223 = arith.select %eq3A_221, %jit3A_222, %jit3A_219 : i32
      %rem3A_224 = arith.remsi %sub3A_218, %select_n3A_223 : i32
      %ne3A_225 = arith.constant 0 : i32
      %ne3A_226 = arith.cmpi ne, %rem3A_224, %ne3A_225 : i32
      %lt3A_227 = arith.constant 0 : i32
      %lt3A_228 = arith.cmpi slt, %rem3A_224, %lt3A_227 : i32
      %lt3A_229 = arith.constant 0 : i32
      %lt3A_230 = arith.cmpi slt, %select_n3A_223, %lt3A_229 : i32
      %ne3A_231 = arith.xori %lt3A_228, %lt3A_230 : i1
      %and3A_232 = arith.andi %ne3A_231, %ne3A_226 : i1
      %add3A_233 = arith.addi %rem3A_224, %select_n3A_223 : i32
      %select_n3A_234 = arith.select %and3A_232, %add3A_233, %rem3A_224 : i32
      %jit3A_235 = arith.constant 3 : i32
      %eq3A_236 = arith.constant 0 : i32
      %eq3A_237 = arith.cmpi eq, %jit3A_235, %eq3A_236 : i32
      %jit3A_238 = arith.constant 1 : i32
      %select_n3A_239 = arith.select %eq3A_237, %jit3A_238, %jit3A_235 : i32
      %rem3A_240 = arith.remsi %scan3A_206, %select_n3A_239 : i32
      %ne3A_241 = arith.constant 0 : i32
      %ne3A_242 = arith.cmpi ne, %rem3A_240, %ne3A_241 : i32
      %lt3A_243 = arith.constant 0 : i32
      %lt3A_244 = arith.cmpi slt, %rem3A_240, %lt3A_243 : i32
      %lt3A_245 = arith.constant 0 : i32
      %lt3A_246 = arith.cmpi slt, %select_n3A_239, %lt3A_245 : i32
      %ne3A_247 = arith.xori %lt3A_244, %lt3A_246 : i1
      %and3A_248 = arith.andi %ne3A_247, %ne3A_242 : i1
      %add3A_249 = arith.addi %rem3A_240, %select_n3A_239 : i32
      %select_n3A_250 = arith.select %and3A_248, %add3A_249, %rem3A_240 : i32
      %add3A_251 = arith.constant 3 : i32
      %add3A_252 = arith.addi %scan3A_206, %add3A_251 : i32
      %sub3A_253 = arith.constant 1 : i32
      %sub3A_254 = arith.subi %add3A_252, %sub3A_253 : i32
      %jit3A_255 = arith.constant 3 : i32
      %eq3A_256 = arith.constant 0 : i32
      %eq3A_257 = arith.cmpi eq, %jit3A_255, %eq3A_256 : i32
      %jit3A_258 = arith.constant 1 : i32
      %select_n3A_259 = arith.select %eq3A_257, %jit3A_258, %jit3A_255 : i32
      %rem3A_260 = arith.remsi %sub3A_254, %select_n3A_259 : i32
      %ne3A_261 = arith.constant 0 : i32
      %ne3A_262 = arith.cmpi ne, %rem3A_260, %ne3A_261 : i32
      %lt3A_263 = arith.constant 0 : i32
      %lt3A_264 = arith.cmpi slt, %rem3A_260, %lt3A_263 : i32
      %lt3A_265 = arith.constant 0 : i32
      %lt3A_266 = arith.cmpi slt, %select_n3A_259, %lt3A_265 : i32
      %ne3A_267 = arith.xori %lt3A_264, %lt3A_266 : i1
      %and3A_268 = arith.andi %ne3A_267, %ne3A_262 : i1
      %add3A_269 = arith.addi %rem3A_260, %select_n3A_259 : i32
      %select_n3A_270 = arith.select %and3A_268, %add3A_269, %rem3A_260 : i32
      %mul3A_271 = arith.constant 8 : i32
      %mul3A_272 = arith.muli %scan3A_206, %mul3A_271 : i32
      %mul3A_273 = arith.constant 8 : i32
      %mul3A_274 = arith.muli %select_n3A_215, %mul3A_273 : i32
      %dma_wait3A_275 = arith.constant 0 : i32
      %dma_wait3A_276 = tpu.memref_slice %arg6[%mul3A_274, %dma_wait3A_275] : memref<96x1024xf32, #tpu.memory_space<vmem>> -> memref<8x1024xf32, #tpu.memory_space<vmem>>
      %dma_wait3A_277 = tpu.memref_slice %arg5[%mul3A_272] : memref<1024xi32, #tpu.memory_space<vmem>> -> memref<8xi32, #tpu.memory_space<vmem>>
      %dma_wait3A_278 = arith.constant 0 : i32
      %dma_wait3A_279 = arith.constant 0 : i32
      %dma_wait3A_280 = tpu.memref_slice %arg2[%dma_wait3A_278, %dma_wait3A_279] : memref<8192x1024xf32, #tpu.memory_space<hbm>> -> memref<8192x1024xf32, #tpu.memory_space<hbm>>
      %dma_wait3A_281 = tpu.memref_slice %arg8[%select_n3A_215] : memref<12x!tpu.dma_semaphore, #tpu.memory_space<semaphore_mem>> -> memref<1x!tpu.dma_semaphore, #tpu.memory_space<semaphore_mem>>
      %dma_wait3A_282 = tpu.memref_squeeze %dma_wait3A_281 : memref<1x!tpu.dma_semaphore, #tpu.memory_space<semaphore_mem>> -> memref<!tpu.dma_semaphore, #tpu.memory_space<semaphore_mem>>
      tpu.wait_indirect_dma semaphore(%dma_wait3A_282 : memref<!tpu.dma_semaphore, #tpu.memory_space<semaphore_mem>>) src(%dma_wait3A_280 : memref<8192x1024xf32, #tpu.memory_space<hbm>>) dst(%dma_wait3A_276 : memref<8x1024xf32, #tpu.memory_space<vmem>>)
      %ge3A = arith.constant 3 : i32
      %ge3A_283 = arith.cmpi sge, %scan3A_206, %ge3A : i32
      %convert_element_type3A = arith.extui %ge3A_283 : i1 to i32
      %cond3A = arith.constant 0 : i32
      %cond3A_284 = arith.cmpi ne, %convert_element_type3A, %cond3A : i32
      scf.if %cond3A_284 {
        %sub3A_317 = arith.constant 3 : i32
        %sub3A_318 = arith.subi %scan3A_206, %sub3A_317 : i32
        %mul3A_319 = arith.constant 3 : i32
        %mul3A_320 = arith.muli %arg1, %mul3A_319 : i32
        %add3A_321 = arith.addi %mul3A_320, %select_n3A_250 : i32
        %mul3A_322 = arith.constant 8 : i32
        %mul3A_323 = arith.muli %add3A_321, %mul3A_322 : i32
        %mul3A_324 = arith.constant 8 : i32
        %mul3A_325 = arith.muli %sub3A_318, %mul3A_324 : i32
        %add3A_326 = arith.addi %mul3A_2, %mul3A_325 : i32
        %dma_wait3A_327 = tpu.memref_slice %arg10[%select_n3A_250] : memref<3x!tpu.dma_semaphore, #tpu.memory_space<semaphore_mem>> -> memref<1x!tpu.dma_semaphore, #tpu.memory_space<semaphore_mem>>
        %dma_wait3A_328 = tpu.memref_squeeze %dma_wait3A_327 : memref<1x!tpu.dma_semaphore, #tpu.memory_space<semaphore_mem>> -> memref<!tpu.dma_semaphore, #tpu.memory_space<semaphore_mem>>
        %dma_wait3A_329 = arith.constant 0 : i32
        %dma_wait3A_330 = tpu.memref_slice %arg4[%add3A_326, %dma_wait3A_329] : memref<32768x1024xf32, #tpu.memory_space<hbm>> -> memref<8x1024xf32, #tpu.memory_space<hbm>>
        %dma_wait3A_331 = arith.constant 0 : i32
        %dma_wait3A_332 = tpu.memref_slice %arg7[%mul3A_323, %dma_wait3A_331] : memref<384x1024xf32, #tpu.memory_space<vmem_shared>> -> memref<8x1024xf32, #tpu.memory_space<vmem_shared>>
        tpu.wait_dma2 semaphore(%dma_wait3A_328 : memref<!tpu.dma_semaphore, #tpu.memory_space<semaphore_mem>>) src(%dma_wait3A_332 : memref<8x1024xf32, #tpu.memory_space<vmem_shared>>) dst(%dma_wait3A_330 : memref<8x1024xf32, #tpu.memory_space<hbm>>)
      } else {
      }
      %mul3A_285 = arith.constant 8 : i32
      %mul3A_286 = arith.muli %select_n3A_215, %mul3A_285 : i32
      %mul3A_287 = arith.constant 3 : i32
      %mul3A_288 = arith.muli %arg1, %mul3A_287 : i32
      %add3A_289 = arith.addi %mul3A_288, %select_n3A_250 : i32
      %mul3A_290 = arith.constant 8 : i32
      %mul3A_291 = arith.muli %add3A_289, %mul3A_290 : i32
      %dma_start3A_292 = arith.constant 0 : i32
      %dma_start3A_293 = tpu.memref_slice %arg6[%mul3A_286, %dma_start3A_292] : memref<96x1024xf32, #tpu.memory_space<vmem>> -> memref<8x1024xf32, #tpu.memory_space<vmem>>
      %dma_start3A_294 = arith.constant 0 : i32
      %dma_start3A_295 = tpu.memref_slice %arg7[%mul3A_291, %dma_start3A_294] : memref<384x1024xf32, #tpu.memory_space<vmem_shared>> -> memref<8x1024xf32, #tpu.memory_space<vmem_shared>>
      %dma_start3A_296 = tpu.memref_slice %arg9[%select_n3A_250] : memref<3x!tpu.dma_semaphore, #tpu.memory_space<semaphore_mem>> -> memref<1x!tpu.dma_semaphore, #tpu.memory_space<semaphore_mem>>
      %dma_start3A_297 = tpu.memref_squeeze %dma_start3A_296 : memref<1x!tpu.dma_semaphore, #tpu.memory_space<semaphore_mem>> -> memref<!tpu.dma_semaphore, #tpu.memory_space<semaphore_mem>>
      %dma_start3A_298 = arith.constant 0 : i32
      %dma_start3A_299 = tpu.memref_slice %arg7[%mul3A_291, %dma_start3A_298] : memref<384x1024xf32, #tpu.memory_space<vmem_shared>> -> memref<8x1024xf32, #tpu.memory_space<vmem_shared>>
      %dma_start3A_300 = arith.constant 0 : i32
      %dma_start3A_301 = tpu.memref_slice %arg6[%mul3A_286, %dma_start3A_300] : memref<96x1024xf32, #tpu.memory_space<vmem>> -> memref<8x1024xf32, #tpu.memory_space<vmem>>
      tpu.enqueue_dma source(%dma_start3A_301 : memref<8x1024xf32, #tpu.memory_space<vmem>>) target(%dma_start3A_299 : memref<8x1024xf32, #tpu.memory_space<vmem_shared>>) target_semaphore(%dma_start3A_297 : memref<!tpu.dma_semaphore, #tpu.memory_space<semaphore_mem>>)
      %ge3A_302 = arith.constant 1 : i32
      %ge3A_303 = arith.cmpi sge, %scan3A_206, %ge3A_302 : i32
      %convert_element_type3A_304 = arith.extui %ge3A_303 : i1 to i32
      %cond3A_305 = arith.constant 0 : i32
      %cond3A_306 = arith.cmpi ne, %convert_element_type3A_304, %cond3A_305 : i32
      scf.if %cond3A_306 {
        %mul3A_317 = arith.constant 8 : i32
        %mul3A_318 = arith.muli %select_n3A_234, %mul3A_317 : i32
        %mul3A_319 = arith.constant 3 : i32
        %mul3A_320 = arith.muli %arg1, %mul3A_319 : i32
        %add3A_321 = arith.addi %mul3A_320, %select_n3A_270 : i32
        %mul3A_322 = arith.constant 8 : i32
        %mul3A_323 = arith.muli %add3A_321, %mul3A_322 : i32
        %dma_wait3A_324 = arith.constant 0 : i32
        %dma_wait3A_325 = tpu.memref_slice %arg6[%mul3A_318, %dma_wait3A_324] : memref<96x1024xf32, #tpu.memory_space<vmem>> -> memref<8x1024xf32, #tpu.memory_space<vmem>>
        %dma_wait3A_326 = arith.constant 0 : i32
        %dma_wait3A_327 = tpu.memref_slice %arg7[%mul3A_323, %dma_wait3A_326] : memref<384x1024xf32, #tpu.memory_space<vmem_shared>> -> memref<8x1024xf32, #tpu.memory_space<vmem_shared>>
        %dma_wait3A_328 = tpu.memref_slice %arg9[%select_n3A_270] : memref<3x!tpu.dma_semaphore, #tpu.memory_space<semaphore_mem>> -> memref<1x!tpu.dma_semaphore, #tpu.memory_space<semaphore_mem>>
        %dma_wait3A_329 = tpu.memref_squeeze %dma_wait3A_328 : memref<1x!tpu.dma_semaphore, #tpu.memory_space<semaphore_mem>> -> memref<!tpu.dma_semaphore, #tpu.memory_space<semaphore_mem>>
        %dma_wait3A_330 = arith.constant 0 : i32
        %dma_wait3A_331 = tpu.memref_slice %arg7[%mul3A_323, %dma_wait3A_330] : memref<384x1024xf32, #tpu.memory_space<vmem_shared>> -> memref<8x1024xf32, #tpu.memory_space<vmem_shared>>
        %dma_wait3A_332 = arith.constant 0 : i32
        %dma_wait3A_333 = tpu.memref_slice %arg6[%mul3A_318, %dma_wait3A_332] : memref<96x1024xf32, #tpu.memory_space<vmem>> -> memref<8x1024xf32, #tpu.memory_space<vmem>>
        tpu.wait_dma2 semaphore(%dma_wait3A_329 : memref<!tpu.dma_semaphore, #tpu.memory_space<semaphore_mem>>) src(%dma_wait3A_333 : memref<8x1024xf32, #tpu.memory_space<vmem>>) dst(%dma_wait3A_331 : memref<8x1024xf32, #tpu.memory_space<vmem_shared>>)
      } else {
      }
      %ge3A_307 = arith.constant 1 : i32
      %ge3A_308 = arith.cmpi sge, %scan3A_206, %ge3A_307 : i32
      %convert_element_type3A_309 = arith.extui %ge3A_308 : i1 to i32
      %cond3A_310 = arith.constant 0 : i32
      %cond3A_311 = arith.cmpi ne, %convert_element_type3A_309, %cond3A_310 : i32
      scf.if %cond3A_311 {
        %sub3A_317 = arith.constant 1 : i32
        %sub3A_318 = arith.subi %scan3A_206, %sub3A_317 : i32
        %mul3A_319 = arith.constant 3 : i32
        %mul3A_320 = arith.muli %arg1, %mul3A_319 : i32
        %add3A_321 = arith.addi %mul3A_320, %select_n3A_270 : i32
        %mul3A_322 = arith.constant 8 : i32
        %mul3A_323 = arith.muli %add3A_321, %mul3A_322 : i32
        %mul3A_324 = arith.constant 8 : i32
        %mul3A_325 = arith.muli %sub3A_318, %mul3A_324 : i32
        %add3A_326 = arith.addi %mul3A_2, %mul3A_325 : i32
        %dma_start3A_327 = tpu.memref_slice %arg10[%select_n3A_270] : memref<3x!tpu.dma_semaphore, #tpu.memory_space<semaphore_mem>> -> memref<1x!tpu.dma_semaphore, #tpu.memory_space<semaphore_mem>>
        %dma_start3A_328 = tpu.memref_squeeze %dma_start3A_327 : memref<1x!tpu.dma_semaphore, #tpu.memory_space<semaphore_mem>> -> memref<!tpu.dma_semaphore, #tpu.memory_space<semaphore_mem>>
        %dma_start3A_329 = arith.constant 0 : i32
        %dma_start3A_330 = tpu.memref_slice %arg4[%add3A_326, %dma_start3A_329] : memref<32768x1024xf32, #tpu.memory_space<hbm>> -> memref<8x1024xf32, #tpu.memory_space<hbm>>
        %dma_start3A_331 = arith.constant 0 : i32
        %dma_start3A_332 = tpu.memref_slice %arg7[%mul3A_323, %dma_start3A_331] : memref<384x1024xf32, #tpu.memory_space<vmem_shared>> -> memref<8x1024xf32, #tpu.memory_space<vmem_shared>>
        tpu.enqueue_dma source(%dma_start3A_332 : memref<8x1024xf32, #tpu.memory_space<vmem_shared>>) target(%dma_start3A_330 : memref<8x1024xf32, #tpu.memory_space<hbm>>) target_semaphore(%dma_start3A_328 : memref<!tpu.dma_semaphore, #tpu.memory_space<semaphore_mem>>)
      } else {
      }
      %lt3A_312 = arith.constant 117 : i32
      %lt3A_313 = arith.cmpi slt, %scan3A_206, %lt3A_312 : i32
      %convert_element_type3A_314 = arith.extui %lt3A_313 : i1 to i32
      %cond3A_315 = arith.constant 0 : i32
      %cond3A_316 = arith.cmpi ne, %convert_element_type3A_314, %cond3A_315 : i32
      scf.if %cond3A_316 {
        %add3A_317 = arith.constant 12 : i32
        %add3A_318 = arith.addi %scan3A_206, %add3A_317 : i32
        %sub3A_319 = arith.constant 1 : i32
        %sub3A_320 = arith.subi %add3A_318, %sub3A_319 : i32
        %mul3A_321 = arith.constant 8 : i32
        %mul3A_322 = arith.muli %sub3A_320, %mul3A_321 : i32
        %mul3A_323 = arith.constant 8 : i32
        %mul3A_324 = arith.muli %select_n3A_234, %mul3A_323 : i32
        %dma_start3A_325 = arith.constant 0 : i32
        %dma_start3A_326 = tpu.memref_slice %arg6[%mul3A_324, %dma_start3A_325] : memref<96x1024xf32, #tpu.memory_space<vmem>> -> memref<8x1024xf32, #tpu.memory_space<vmem>>
        %dma_start3A_327 = tpu.memref_slice %arg5[%mul3A_322] : memref<1024xi32, #tpu.memory_space<vmem>> -> memref<8xi32, #tpu.memory_space<vmem>>
        %dma_start3A_328 = arith.constant 0 : i32
        %dma_start3A_329 = arith.constant 0 : i32
        %dma_start3A_330 = tpu.memref_slice %arg2[%dma_start3A_328, %dma_start3A_329] : memref<8192x1024xf32, #tpu.memory_space<hbm>> -> memref<8192x1024xf32, #tpu.memory_space<hbm>>
        %dma_start3A_331 = tpu.memref_slice %arg8[%select_n3A_234] : memref<12x!tpu.dma_semaphore, #tpu.memory_space<semaphore_mem>> -> memref<1x!tpu.dma_semaphore, #tpu.memory_space<semaphore_mem>>
        %dma_start3A_332 = tpu.memref_squeeze %dma_start3A_331 : memref<1x!tpu.dma_semaphore, #tpu.memory_space<semaphore_mem>> -> memref<!tpu.dma_semaphore, #tpu.memory_space<semaphore_mem>>
        tpu.enqueue_indirect_dma source(%dma_start3A_330 : memref<8192x1024xf32, #tpu.memory_space<hbm>>) target(%dma_start3A_326 : memref<8x1024xf32, #tpu.memory_space<vmem>>) offsets(%dma_start3A_327 : memref<8xi32, #tpu.memory_space<vmem>>) semaphore(%dma_start3A_332 : memref<!tpu.dma_semaphore, #tpu.memory_space<semaphore_mem>>)
      } else {
      }
    }
    %scan3A_127 = arith.constant 128 : i32
    %mul3A_128 = arith.constant 3 : i32
    %mul3A_129 = arith.muli %arg1, %mul3A_128 : i32
    %add3A_130 = arith.constant 1 : i32
    %add3A_131 = arith.addi %mul3A_129, %add3A_130 : i32
    %mul3A_132 = arith.constant 8 : i32
    %mul3A_133 = arith.muli %add3A_131, %mul3A_132 : i32
    %dma_wait3A = arith.constant 1 : i32
    %dma_wait3A_134 = arith.constant 56 : i32
    %dma_wait3A_135 = arith.constant 0 : i32
    %dma_wait3A_136 = tpu.memref_slice %arg6[%dma_wait3A_134, %dma_wait3A_135] : memref<96x1024xf32, #tpu.memory_space<vmem>> -> memref<8x1024xf32, #tpu.memory_space<vmem>>
    %dma_wait3A_137 = arith.constant 0 : i32
    %dma_wait3A_138 = tpu.memref_slice %arg7[%mul3A_133, %dma_wait3A_137] : memref<384x1024xf32, #tpu.memory_space<vmem_shared>> -> memref<8x1024xf32, #tpu.memory_space<vmem_shared>>
    %dma_wait3A_139 = tpu.memref_slice %arg9[%dma_wait3A] : memref<3x!tpu.dma_semaphore, #tpu.memory_space<semaphore_mem>> -> memref<1x!tpu.dma_semaphore, #tpu.memory_space<semaphore_mem>>
    %dma_wait3A_140 = tpu.memref_squeeze %dma_wait3A_139 : memref<1x!tpu.dma_semaphore, #tpu.memory_space<semaphore_mem>> -> memref<!tpu.dma_semaphore, #tpu.memory_space<semaphore_mem>>
    %dma_wait3A_141 = arith.constant 0 : i32
    %dma_wait3A_142 = tpu.memref_slice %arg7[%mul3A_133, %dma_wait3A_141] : memref<384x1024xf32, #tpu.memory_space<vmem_shared>> -> memref<8x1024xf32, #tpu.memory_space<vmem_shared>>
    %dma_wait3A_143 = arith.constant 56 : i32
    %dma_wait3A_144 = arith.constant 0 : i32
    %dma_wait3A_145 = tpu.memref_slice %arg6[%dma_wait3A_143, %dma_wait3A_144] : memref<96x1024xf32, #tpu.memory_space<vmem>> -> memref<8x1024xf32, #tpu.memory_space<vmem>>
    tpu.wait_dma2 semaphore(%dma_wait3A_140 : memref<!tpu.dma_semaphore, #tpu.memory_space<semaphore_mem>>) src(%dma_wait3A_145 : memref<8x1024xf32, #tpu.memory_space<vmem>>) dst(%dma_wait3A_142 : memref<8x1024xf32, #tpu.memory_space<vmem_shared>>)
    %mul3A_146 = arith.constant 3 : i32
    %mul3A_147 = arith.muli %arg1, %mul3A_146 : i32
    %add3A_148 = arith.constant 1 : i32
    %add3A_149 = arith.addi %mul3A_147, %add3A_148 : i32
    %mul3A_150 = arith.constant 8 : i32
    %mul3A_151 = arith.muli %add3A_149, %mul3A_150 : i32
    %add3A_152 = arith.constant 1016 : i32
    %add3A_153 = arith.addi %mul3A_2, %add3A_152 : i32
    %dma_start3A_154 = arith.constant 1 : i32
    %dma_start3A_155 = tpu.memref_slice %arg10[%dma_start3A_154] : memref<3x!tpu.dma_semaphore, #tpu.memory_space<semaphore_mem>> -> memref<1x!tpu.dma_semaphore, #tpu.memory_space<semaphore_mem>>
    %dma_start3A_156 = tpu.memref_squeeze %dma_start3A_155 : memref<1x!tpu.dma_semaphore, #tpu.memory_space<semaphore_mem>> -> memref<!tpu.dma_semaphore, #tpu.memory_space<semaphore_mem>>
    %dma_start3A_157 = arith.constant 0 : i32
    %dma_start3A_158 = tpu.memref_slice %arg4[%add3A_153, %dma_start3A_157] : memref<32768x1024xf32, #tpu.memory_space<hbm>> -> memref<8x1024xf32, #tpu.memory_space<hbm>>
    %dma_start3A_159 = arith.constant 0 : i32
    %dma_start3A_160 = tpu.memref_slice %arg7[%mul3A_151, %dma_start3A_159] : memref<384x1024xf32, #tpu.memory_space<vmem_shared>> -> memref<8x1024xf32, #tpu.memory_space<vmem_shared>>
    tpu.enqueue_dma source(%dma_start3A_160 : memref<8x1024xf32, #tpu.memory_space<vmem_shared>>) target(%dma_start3A_158 : memref<8x1024xf32, #tpu.memory_space<hbm>>) target_semaphore(%dma_start3A_156 : memref<!tpu.dma_semaphore, #tpu.memory_space<semaphore_mem>>)
    %mul3A_161 = arith.constant 3 : i32
    %mul3A_162 = arith.muli %arg1, %mul3A_161 : i32
    %add3A_163 = arith.constant 2 : i32
    %add3A_164 = arith.addi %mul3A_162, %add3A_163 : i32
    %mul3A_165 = arith.constant 8 : i32
    %mul3A_166 = arith.muli %add3A_164, %mul3A_165 : i32
    %add3A_167 = arith.constant 1000 : i32
    %add3A_168 = arith.addi %mul3A_2, %add3A_167 : i32
    %dma_wait3A_169 = arith.constant 2 : i32
    %dma_wait3A_170 = tpu.memref_slice %arg10[%dma_wait3A_169] : memref<3x!tpu.dma_semaphore, #tpu.memory_space<semaphore_mem>> -> memref<1x!tpu.dma_semaphore, #tpu.memory_space<semaphore_mem>>
    %dma_wait3A_171 = tpu.memref_squeeze %dma_wait3A_170 : memref<1x!tpu.dma_semaphore, #tpu.memory_space<semaphore_mem>> -> memref<!tpu.dma_semaphore, #tpu.memory_space<semaphore_mem>>
    %dma_wait3A_172 = arith.constant 0 : i32
    %dma_wait3A_173 = tpu.memref_slice %arg4[%add3A_168, %dma_wait3A_172] : memref<32768x1024xf32, #tpu.memory_space<hbm>> -> memref<8x1024xf32, #tpu.memory_space<hbm>>
    %dma_wait3A_174 = arith.constant 0 : i32
    %dma_wait3A_175 = tpu.memref_slice %arg7[%mul3A_166, %dma_wait3A_174] : memref<384x1024xf32, #tpu.memory_space<vmem_shared>> -> memref<8x1024xf32, #tpu.memory_space<vmem_shared>>
    tpu.wait_dma2 semaphore(%dma_wait3A_171 : memref<!tpu.dma_semaphore, #tpu.memory_space<semaphore_mem>>) src(%dma_wait3A_175 : memref<8x1024xf32, #tpu.memory_space<vmem_shared>>) dst(%dma_wait3A_173 : memref<8x1024xf32, #tpu.memory_space<hbm>>)
    %mul3A_176 = arith.constant 3 : i32
    %mul3A_177 = arith.muli %arg1, %mul3A_176 : i32
    %add3A_178 = arith.constant 0 : i32
    %add3A_179 = arith.addi %mul3A_177, %add3A_178 : i32
    %mul3A_180 = arith.constant 8 : i32
    %mul3A_181 = arith.muli %add3A_179, %mul3A_180 : i32
    %add3A_182 = arith.constant 1008 : i32
    %add3A_183 = arith.addi %mul3A_2, %add3A_182 : i32
    %dma_wait3A_184 = arith.constant 0 : i32
    %dma_wait3A_185 = tpu.memref_slice %arg10[%dma_wait3A_184] : memref<3x!tpu.dma_semaphore, #tpu.memory_space<semaphore_mem>> -> memref<1x!tpu.dma_semaphore, #tpu.memory_space<semaphore_mem>>
    %dma_wait3A_186 = tpu.memref_squeeze %dma_wait3A_185 : memref<1x!tpu.dma_semaphore, #tpu.memory_space<semaphore_mem>> -> memref<!tpu.dma_semaphore, #tpu.memory_space<semaphore_mem>>
    %dma_wait3A_187 = arith.constant 0 : i32
    %dma_wait3A_188 = tpu.memref_slice %arg4[%add3A_183, %dma_wait3A_187] : memref<32768x1024xf32, #tpu.memory_space<hbm>> -> memref<8x1024xf32, #tpu.memory_space<hbm>>
    %dma_wait3A_189 = arith.constant 0 : i32
    %dma_wait3A_190 = tpu.memref_slice %arg7[%mul3A_181, %dma_wait3A_189] : memref<384x1024xf32, #tpu.memory_space<vmem_shared>> -> memref<8x1024xf32, #tpu.memory_space<vmem_shared>>
    tpu.wait_dma2 semaphore(%dma_wait3A_186 : memref<!tpu.dma_semaphore, #tpu.memory_space<semaphore_mem>>) src(%dma_wait3A_190 : memref<8x1024xf32, #tpu.memory_space<vmem_shared>>) dst(%dma_wait3A_188 : memref<8x1024xf32, #tpu.memory_space<hbm>>)
    %mul3A_191 = arith.constant 3 : i32
    %mul3A_192 = arith.muli %arg1, %mul3A_191 : i32
    %add3A_193 = arith.constant 1 : i32
    %add3A_194 = arith.addi %mul3A_192, %add3A_193 : i32
    %mul3A_195 = arith.constant 8 : i32
    %mul3A_196 = arith.muli %add3A_194, %mul3A_195 : i32
    %add3A_197 = arith.constant 1016 : i32
    %add3A_198 = arith.addi %mul3A_2, %add3A_197 : i32
    %dma_wait3A_199 = arith.constant 1 : i32
    %dma_wait3A_200 = tpu.memref_slice %arg10[%dma_wait3A_199] : memref<3x!tpu.dma_semaphore, #tpu.memory_space<semaphore_mem>> -> memref<1x!tpu.dma_semaphore, #tpu.memory_space<semaphore_mem>>
    %dma_wait3A_201 = tpu.memref_squeeze %dma_wait3A_200 : memref<1x!tpu.dma_semaphore, #tpu.memory_space<semaphore_mem>> -> memref<!tpu.dma_semaphore, #tpu.memory_space<semaphore_mem>>
    %dma_wait3A_202 = arith.constant 0 : i32
    %dma_wait3A_203 = tpu.memref_slice %arg4[%add3A_198, %dma_wait3A_202] : memref<32768x1024xf32, #tpu.memory_space<hbm>> -> memref<8x1024xf32, #tpu.memory_space<hbm>>
    %dma_wait3A_204 = arith.constant 0 : i32
    %dma_wait3A_205 = tpu.memref_slice %arg7[%mul3A_196, %dma_wait3A_204] : memref<384x1024xf32, #tpu.memory_space<vmem_shared>> -> memref<8x1024xf32, #tpu.memory_space<vmem_shared>>
    tpu.wait_dma2 semaphore(%dma_wait3A_201 : memref<!tpu.dma_semaphore, #tpu.memory_space<semaphore_mem>>) src(%dma_wait3A_205 : memref<8x1024xf32, #tpu.memory_space<vmem_shared>>) dst(%dma_wait3A_203 : memref<8x1024xf32, #tpu.memory_space<hbm>>)
    return
  }
}

</mosaic_0001>

<sc_bundles>
// kernel: kernel.3.cloned.1.call-start
scs
__scs_entry_jumppad:
0x0: {  	(pc) =	sbr.rel $0x88, $3  }
0x1: {  	(tag) =	ssettag $0x0;
	lr =	simm.s32 $0x1  }
0x2: {  	[smem:$0x3F9F] =	sst lr;
	_ =	strace $0xD0000000  }
0x3: {  	_ = 	snop  }
0x4: {  	_ = 	snop  }
0x5: {  	_ = 	snop  }
0x6: {  	_ = 	snop  }
0x7: {  	_ = 	snop  }
__scs_overlays_trampoline_lowered:
0x8: {  	[smem:$0x3FAE] =	sst s0  }
0x9: {  	[smem:$0x3FAF] =	sst s1  }
0xa: {  	[smem:$0x3FB0] =	sst s2  }
0xb: {  	[smem:$0x3FB1] =	sst s3  }
0xc: {  	[smem:$0x3FB2] =	sst s4  }
0xd: {  	[smem:$0x3FB3] =	sst s5  }
0xe: {  	[smem:$0x3FB4] =	sst s6  }
0xf: {  	[smem:$0x3FB5] =	sst s7  }
0x10: {  	[smem:$0x3FB6] =	sst s8  }
0x11: {  	[smem:$0x3FB7] =	sst s9;
	s0 =	simm.s32 @!p0 $0x0  }
0x12: {  	s1 =	sld [smem:$0x3F9D];
	s0 =	simm.s32 @p0 $0x1  }
0x13: {  	[smem:$0x3FB8] =	sst s0;
	s0 =	simm.s32 @!p1 $0x0  }
0x14: {  	s2 =	sld [smem:$0x3F9C];
	s0 =	simm.s32 @p1 $0x1  }
0x15: {  	[smem:$0x3FB9] =	sst s0;
	s0 =	simm.s32 @!p2 $0x0  }
0x16: {  	s3 =	sld [smem:$0x3FDB];
	s0 =	simm.s32 @p2 $0x1  }
0x17: {  	s4 =	simm.s32 $0x1BF5;
	[smem:$0x3FBB] =	sst s0  }
0x18: {  	s0 =	sld [smem:$0x3F9E];
	_ =	swait.ge [sflag:s4], $0x0  }
0x19: {  	s7 =	sld [smem:$0x3F9F]  }
0x1a: {  	s8 =	sadd.s32 $0xFFFFE003, lr  }
0x1b: {  	s9 =	sadd.s32 $0xFFFFFEF7, lr;
	s5 =	simm.s32 $0xFFFFFFFF;
	p2 =	slt.u32 s8, $0xFFFFF086  }
0x1c: {  	p1 =	slt.u32 s9, $0xF7A;
	s5 =	simm.s32 @!p2 $0x0  }
0x1d: {  	s5 =	simm.s32 @p1 $0x1;
	p0 =	seq.s32 s7, s2  }
0x1e: {  	s7 =	smul.u32 @!p0 $0xF7A, s2;
	p2 =	seq.s32 @!p0 s5, $0x0  }
0x1f: {  	s9 =	smul.u32 $0xF7A, s1;
	s8 =	simm.s32 @!p0 $0x1BF5;
	p2 =	por !p2, p0  }
0x20: {  	[sflag:s8] =	ssyncset.s32 @!p0 $0xFFFFF086;
	s6 =	sadd.s32 @!p0 s3, s7;
	s7 =	simm.s32 @!p0 $0x108  }
0x21: {  	s3 =	sadd.s32 s3, s9;
	s6 =	sadd.s32 @!p0 $0x88, s6;
	s7 =	simm.s32 @p2 $0x1082  }
0x22: {  	[simem:s7], [sflag:s8] =	dma.local @!p0 [hbm:s6], $0xF7A  }
0x23: {  	s9 =	sor.u32 $0xD0000000, s2;
	s6 =	simm.s32 $0x108;
	_ =	swait.ge @!p0 [sflag:s8], $0x0  }
0x24: {  	s3 =	sadd.s32 $0x88, s3;
	s6 =	simm.s32 @!p1 $0x1082;
	[sflag:s4] =	ssyncset.s32 $0xFFFFF086  }
0x25: {  	[simem:s6], [sflag:s4] =	dma.local [hbm:s3], $0xF7A  }
0x26: {  	[smem:$0x3F9F] =	sst s1;
	(tag) =	ssettag s2;
	_ =	strace s9  }
0x27: {  	s1 =	sld [smem:$0x3FAF]  }
0x28: {  	s2 =	sld [smem:$0x3FB0]  }
0x29: {  	s4 =	sld [smem:$0x3FB2]  }
0x2a: {  	p0 =	seq.s32 s5, $0x0;
	s5 =	sld [smem:$0x3FB3]  }
0x2b: {  	s6 =	sld [smem:$0x3FB4]  }
0x2c: {  	s7 =	sld [smem:$0x3FB5]  }
0x2d: {  	s3 =	simm.s32 $0x108;
	s8 =	sld [smem:$0x3FB6]  }
0x2e: {  	s3 =	simm.s32 @!p0 $0x1082;
	s9 =	sld [smem:$0x3FB7]  }
0x2f: {  	lr =	sadd.s32 s0, s3;
	s0 =	sld [smem:$0x3FAE]  }
0x30: {  	s3 =	sld [smem:$0x3FB1]  }
0x31: {  	[smem:$0x3FBA] =	sst s10  }
0x32: {  	s10 =	sld [smem:$0x3FB8];
	_ =	sdelay $0x3  }
0x33: {  	p0 =	seq.s32 s10, $0x1;
	s10 =	sld [smem:$0x3FBA];
	_ =	sdelay $0x3  }
0x34: {  	[smem:$0x3FBA] =	sst s10  }
0x35: {  	s10 =	sld [smem:$0x3FB9];
	_ =	sdelay $0x3  }
0x36: {  	p1 =	seq.s32 s10, $0x1;
	s10 =	sld [smem:$0x3FBA];
	_ =	sdelay $0x3  }
0x37: {  	[smem:$0x3FBA] =	sst s10  }
0x38: {  	s10 =	sld [smem:$0x3FBB]  }
0x39: {  	_ = 	snop;
	(pc) =	sbr.ind lr, $3  }
0x3a: {  	_ = 	snop  }
0x3b: {  	_ = 	snop  }
0x3c: {  	p2 =	seq.s32 s10, $0x1;
	s10 =	sld [smem:$0x3FBA]  }
0x3d: {  	_ =	shalt  }
0x3e: {  	_ =	shalt  }
0x3f: {  	_ =	shalt  }
0x40: {  	_ =	shalt  }
0x41: {  	_ =	shalt  }
0x42: {  	_ =	shalt  }
0x43: {  	_ =	shalt  }
0x44: {  	_ =	shalt  }
0x45: {  	_ =	shalt  }
0x46: {  	_ =	shalt  }
0x47: {  	_ =	shalt  }
0x48: {  	_ =	shalt  }
0x49: {  	_ =	shalt  }
0x4a: {  	_ =	shalt  }
0x4b: {  	_ =	shalt  }
0x4c: {  	_ =	shalt  }
0x4d: {  	_ =	shalt  }
0x4e: {  	_ =	shalt  }
0x4f: {  	_ =	shalt  }
0x50: {  	_ =	shalt  }
0x51: {  	_ =	shalt  }
0x52: {  	_ =	shalt  }
0x53: {  	_ =	shalt  }
0x54: {  	_ =	shalt  }
0x55: {  	_ =	shalt  }
0x56: {  	_ =	shalt  }
0x57: {  	_ =	shalt  }
0x58: {  	_ =	shalt  }
0x59: {  	_ =	shalt  }
0x5a: {  	_ =	shalt  }
0x5b: {  	_ =	shalt  }
0x5c: {  	_ =	shalt  }
0x5d: {  	_ =	shalt  }
0x5e: {  	_ =	shalt  }
0x5f: {  	_ =	shalt  }
0x60: {  	_ =	shalt  }
0x61: {  	_ =	shalt  }
0x62: {  	_ =	shalt  }
0x63: {  	_ =	shalt  }
0x64: {  	_ =	shalt  }
0x65: {  	_ =	shalt  }
0x66: {  	_ =	shalt  }
0x67: {  	_ =	shalt  }
0x68: {  	_ =	shalt  }
0x69: {  	_ =	shalt  }
0x6a: {  	_ =	shalt  }
0x6b: {  	_ =	shalt  }
0x6c: {  	_ =	shalt  }
0x6d: {  	_ =	shalt  }
0x6e: {  	_ =	shalt  }
0x6f: {  	_ =	shalt  }
0x70: {  	_ =	shalt  }
0x71: {  	_ =	shalt  }
0x72: {  	_ =	shalt  }
0x73: {  	_ =	shalt  }
0x74: {  	_ =	shalt  }
0x75: {  	_ =	shalt  }
0x76: {  	_ =	shalt  }
0x77: {  	_ =	shalt  }
0x78: {  	_ =	shalt  }
0x79: {  	_ =	shalt  }
0x7a: {  	_ =	shalt  }
0x7b: {  	_ =	shalt  }
0x7c: {  	_ =	shalt  }
0x7d: {  	_ =	shalt  }
0x7e: {  	_ =	shalt  }
0x7f: {  	_ =	shalt  }
0x80: {  	_ =	shalt  }
0x81: {  	_ =	shalt  }
0x82: {  	_ =	shalt  }
0x83: {  	_ =	shalt  }
0x84: {  	_ =	shalt  }
0x85: {  	_ =	shalt  }
0x86: {  	_ =	shalt  }
0x87: {  	_ =	shalt  }
.Lfunc_end0:
.L_simem_size_0:
called_computation_lowered:
.L_overlay_start_0:
0x88: {  	s2 =	sld [smem:$0x3FD9]  }
0x89: {  	s3 =	sld [smem:$0x3FFE];
	_ =	sdelay $0x1  }
0x8a: {  	s1 =	srdreg.scid  }
0x8b: {  	s0 =	sand.u32 $0x1, s1  }
0x8c: {  	s17 =	sshll.u32 s0, $0xA;
	s2 =	sadd.s32 s3, s2  }
0x8d: {  	s2 =	sadd.s32 s2, s17  }
0x8e: {  	[smem:$0x3FC6] =	sst s2  }
0x8f: {  	_ = 	snop  }
0x90: {  	s2 =	sld [smem:$0x3FC8]  }
0x91: {  	s18 =	sld [smem:$0x3FD0];
	(tm) =	ssettm $0x1  }
0x92: {  	s4 =	sld [smem:$0x3FFB];
	_ =	sdelay $0x3  }
0x93: {  	_ =	strace s4  }
0x94: {  	s4 =	sld [smem:$0x3FFC];
	_ =	sdelay $0x3  }
0x95: {  	_ =	strace s4  }
0x96: {  	s4 =	sld [smem:$0x3FFD];
	_ =	sdelay $0x3  }
0x97: {  	_ =	strace s4  }
0x98: {  	_ =	strace $0x8FFFFFFF  }
0x99: {  	s19 =	sld [smem:$0x3FDB];
	_ =	sdelay $0x1  }
0x9a: {  	s5 =	simm.s32 $_scs_section_size  }
0x9b: {  	s6 =	simm.s32 $_size__tile_overlayer_lowered;
	s7 =	simm.s32 $_tile_overlayer_lowered  }
0x9c: {  	s22 =	simm.s32 $0x1BFF;
	s21 =	sshll.u32 s7, $0x1;
	s4 =	sadd.s32 s5, s19  }
0x9d: {  	s8 =	simm.s32 $0x0;
	s20 =	sshll.u32 s6, $0x1;
	s6 =	sadd.s32 s21, s4  }
0x9e: {  	[timem:s8], [sflag:s22] =	dma.local [hbm:s6], s20  }
0x9f: {  	_ =	swait.ge [sflag:s22], s20  }
0xa0: {  	s5 =	ssub.s32 $0x0, s20;
	[sflag:s22] =	ssyncset.done $0x0  }
0xa1: {  	[sflag:s22] =	ssyncadd.s32 s5;
	_ =	sdelay $0x1  }
0xa2: {  	s23 =	simm.s32 $0x1B8B  }
0xa3: {  	_ =	swait.ge [sflag:s23], $0x1  }
0xa4: {  	[sflag:s23] =	ssyncset.done $0x0  }
0xa5: {  	s25 =	simm.s32 $0x1B8E;
	s24 =	sld [smem:$0x3FFE];
	[sflag:s23] =	ssyncadd.s32 $0xFFFFFFFF  }
0xa6: {  	s26 =	simm.s32 $execute0_lowered;
	[smem:$0x3FD2] =	sst s25  }
0xa7: {  	s6 =	sshll.u32 s26, $0x1;
	_ =	strace $0x80000046;
	[dreg:$0x1] =	wrdreg $0xFFFFFFFF  }
0xa8: {  	s28 =	simm.s32 $_size_execute0_lowered;
	s4 =	sadd.s32 s4, s6;
	[dreg:$0x0] =	wrdreg $0x0  }
0xa9: {  	s6 =	sshll.u32 s28, $0x1;
	[dreg:$0x2] =	wrdreg s4  }
0xaa: {  	[dreg:$0x3] =	wrdreg s6  }
0xab: {  	[dreg:$0x4] =	wrdreg $0xC0  }
0xac: {  	_ =	task [dreg:s8], $0x5FFFF  }
0xad: {  	[dreg:$0x1] =	wrdreg $0xFFFFFFFF  }
0xae: {  	[dreg:$0x0] =	wrdreg $0x60  }
0xaf: {  	[dreg:$0x2] =	wrdreg s2  }
0xb0: {  	[dreg:$0x3] =	wrdreg s24  }
0xb1: {  	[dreg:$0x4] =	wrdreg s18  }
0xb2: {  	[dreg:$0x5] =	wrdreg $0x184000  }
0xb3: {  	[dreg:$0x6] =	wrdreg $0x9  }
0xb4: {  	_ =	task.clear_ibuf [dreg:s8], $0x7FFFF;
	_ =	strace $0x90000046  }
0xb5: {  	s29 =	simm.s32 $0x9;
	_ =	strace $0x80000048  }
0xb6: {  	_ =	swait.ge [sflag:s29], $0x1  }
0xb7: {  	[sflag:s29] =	ssyncadd.s32 $0xFFFFFFFF  }
0xb8: {  	_ =	strace $0x90000048  }
0xb9: {  	_ =	sfence  }
0xba: {  	s30 =	sld [smem:$0x0];
	_ =	sdelay $0x2  }
0xbb: {  	s31 =	sshll.u32 s1, $0xD;
	s1 =	sshrl.u32 s1, $0x2  }
0xbc: {  	s3 =	sand.u32 $0x4000, s31;
	s1 =	sadd.s32 s1, s30  }
0xbd: {  	s0 =	sor.u32 s3, s0;
	s1 =	sshll.u32 s1, $0x11  }
0xbe: {  	s0 =	sor.u32 s1, s0  }
0xbf: {  	s0 =	sadd.s32 $0x8F2B, s0  }
0xc0: {  	[sflag:s0] =	ssyncadd.remote.s32 $0x1  }
0xc1: {  	_ =	sfence.sel $0xFFFF  }
0xc2: {  	[dreg:$0x0] =	wrdreg $0xFFFFFFFF;
	(pc) =	sbr.abs _section_cstart, $3  }
0xc3: {  	[dreg:$0x1] =	wrdreg $0xFFFFFFFF  }
0xc4: {  	_ =	task.clear_ibuf [dreg:s8], $0x2FFFF;
	_ =	strace $0x9FFFFFFF  }
0xc5: {  	(tm) =	ssettm $0x7FFFFFFF  }
tec
execute0_lowered:
.L_overlay_start_1:
0x0: {  	(tag) =	ssettag $0x1  }
0x1: {  	s1 =	rddreg [dreg:$0x0]  }
0x2: {  	s0 =	rddreg [dreg:$0x1]  }
0x3: {  	s10 =	rddreg [dreg:$0x2]  }
0x4: {  	s3 =	rddreg [dreg:$0x3]  }
0x5: {  	s4 =	srdreg.scid;
	s2 =	stileid.u32;
	s21 =	simm.s32 $0x14C00  }
0x6: {  	s22 =	simm.s32 $0x15400;
	s28 =	simm.s32 $0x10;
	s29 =	simm.s32 $0x11  }
0x7: {  	s30 =	simm.s32 $0x0;
	s11 =	sand.u32 $0x1, s4;
	s4 =	simm.s32 $0x0  }
0x8: {  	s5 =	sshll.u32 s2, $0xB;
	s9 =	smul.u32 $0x18000, s2;
	s7 =	sadd.s32 $0x200, s1  }
0x9: {  	s8 =	sadd.s32 $0x300, s1;
	s14 =	sshll.u32 s2, $0x12;
	s6 =	sshll.u32 s11, $0xA  }
0xa: {  	[smem:$0x7FF] =	sst s4;
	s23 =	ssub.s32 $0x2, s11;
	s14 =	sadd.s32 s14, s10  }
0xb: {  	s11 =	sshll.u32 s11, $0x11;
	s12 =	sor.u32 s6, s5;
	_ =	strace $0x80000047  }
0xc: {  	s24 =	sshrl.u32 s23, $0x1;
	s6 =	sadd.s32 $0x100, s1;
	s25 =	sshrl.u32 s9, $0x2  }
0xd: {  	s9 =	smul.u32 $0x3, s2;
	s31 =	sadd.s32 s11, s14;
	s5 =	sshrl.u32 s12, $0x3  }
0xe: {  	s13 =	ssub.s32 s23, s24;
	s12 =	sshll.u32 s12, $0x7;
	s23 =	simm.s32 $0x15C00  }
0xf: {  	s24 =	simm.s32 $0xE;
	s0 =	sadd.s32 s5, s0;
	s26 =	sadd.s32 s12, s10  }
0x10: {  	v0 =	vlaneseq.u32;
	s11 =	smax.u32 s13, $0x1;
	s5 =	sadd.s32 $0x400, s0;
	s0 =	sadd.s32 s25, s3  }
0x11: {  	v1 =	vshrl.u32 v0, $0x3;
	s13 =	simm.s32 $0x13;
	s10 =	sadd.s32 $0x1FC00, s26;
	s15 =	sadd.s32 $0x2000, s0  }
0x12: {  	vm0 =	vmmov $0xffff;
	v0 =	vand.u32 $0x7, v0;
	v1 =	vmul.u32 $0x8, v1;
	s26 =	simm.s32 $0x12;
	s0 =	sadd.s32 $0xFFFFFC00, s31;
	s25 =	sshrl.u32 s15, $0x3  }
.LBB2_1:
0x13: {  	[tilespmem:s4], [sflag:$0x13] =	stream.linear.gather [hbm4b:s5+s4], $0x400, $0x38;
	[tilespmem:$0x1E400] =	vst v63  }
0x14: {  	_ =	swait.ge [sflag:s13], $0x400  }
0x15: {  	[sflag:s13] =	ssyncset.done $0x0  }
0x16: {  	[sflag:s13] =	ssyncadd.s32 $0xFFFFFC00  }
0x17: {  	v2 =	vld.msk [tilespmem:$0x0], $0xff;
	_ =	sdelay $0x4  }
0x18: {  	v3 =	vshll.u32 v2, $0x3  }
0x19: {  	v2 =	vand.u32 $0x7, v2;
	v3 =	vand.u32 $0xFFFFFFC0, v3  }
0x1a: {  	v2 =	vor.u32 v2, v3  }
0x1b: {  	v2 =	vperm.xlane v2, v0;
	_ =	sdelay $0x1  }
0x1c: {  	v2 =	vadd.s32 v1, v2;
	_ =	sdelay $0x3  }
0x1d: {  	s12 =	simm.s32 $0x400  }
0x1e: {  	[tilespmem:s12], [sflag:$0x1] =	stream.indirect_vreg.gather [hbm4b:s1+s4], $0x80, v2, vm0, $0xb8;
	[tilespmem:$0x1E400] =	vst v63  }
0x1f: {  	s16 =	simm.s32 $0xC00  }
0x20: {  	[tilespmem:s16], [sflag:$0x1] =	stream.indirect_vreg.gather [hbm4b:s6+s4], $0x80, v2, vm0, $0xb8;
	[tilespmem:$0x1E400] =	vst v63  }
0x21: {  	s17 =	simm.s32 $0x1400  }
0x22: {  	[tilespmem:s17], [sflag:$0x1] =	stream.indirect_vreg.gather [hbm4b:s7+s4], $0x80, v2, vm0, $0xb8;
	[tilespmem:$0x1E400] =	vst v63  }
0x23: {  	s18 =	simm.s32 $0x1C00  }
0x24: {  	[tilespmem:s18], [sflag:$0x1] =	stream.indirect_vreg.gather [hbm4b:s8+s4], $0x80, v2, vm0, $0xb8;
	[tilespmem:$0x1E400] =	vst v63  }
0x25: {  	v2 =	vld.msk [tilespmem:$0x8], $0xff;
	_ =	sdelay $0x4  }
0x26: {  	v3 =	vshll.u32 v2, $0x3  }
0x27: {  	v2 =	vand.u32 $0x7, v2;
	v3 =	vand.u32 $0xFFFFFFC0, v3  }
0x28: {  	v2 =	vor.u32 v2, v3  }
0x29: {  	v2 =	vperm.xlane v2, v0;
	_ =	sdelay $0x1  }
0x2a: {  	v2 =	vadd.s32 v1, v2;
	_ =	sdelay $0x3  }
0x2b: {  	s19 =	simm.s32 $0x2400  }
0x2c: {  	[tilespmem:s19], [sflag:$0x2] =	stream.indirect_vreg.gather [hbm4b:s1+s4], $0x80, v2, vm0, $0xb8;
	[tilespmem:$0x1E400] =	vst v63  }
0x2d: {  	s20 =	simm.s32 $0x2C00  }
0x2e: {  	[tilespmem:s20], [sflag:$0x2] =	stream.indirect_vreg.gather [hbm4b:s6+s4], $0x80, v2, vm0, $0xb8;
	[tilespmem:$0x1E400] =	vst v63  }
0x2f: {  	s14 =	simm.s32 $0x3400  }
0x30: {  	[tilespmem:s14], [sflag:$0x2] =	stream.indirect_vreg.gather [hbm4b:s7+s4], $0x80, v2, vm0, $0xb8;
	[tilespmem:$0x1E400] =	vst v63  }
0x31: {  	s15 =	simm.s32 $0x3C00  }
0x32: {  	[tilespmem:s15], [sflag:$0x2] =	stream.indirect_vreg.gather [hbm4b:s8+s4], $0x80, v2, vm0, $0xb8;
	[tilespmem:$0x1E400] =	vst v63  }
0x33: {  	v2 =	vld.msk [tilespmem:$0x10], $0xff;
	_ =	sdelay $0x4  }
0x34: {  	v3 =	vshll.u32 v2, $0x3  }
0x35: {  	v2 =	vand.u32 $0x7, v2;
	v3 =	vand.u32 $0xFFFFFFC0, v3  }
0x36: {  	v2 =	vor.u32 v2, v3  }
0x37: {  	v2 =	vperm.xlane v2, v0;
	_ =	sdelay $0x1  }
0x38: {  	v2 =	vadd.s32 v1, v2;
	_ =	sdelay $0x3  }
0x39: {  	s16 =	simm.s32 $0x4400  }
0x3a: {  	[tilespmem:s16], [sflag:$0x3] =	stream.indirect_vreg.gather [hbm4b:s1+s4], $0x80, v2, vm0, $0xb8;
	[tilespmem:$0x1E400] =	vst v63  }
0x3b: {  	s17 =	simm.s32 $0x4C00  }
0x3c: {  	[tilespmem:s17], [sflag:$0x3] =	stream.indirect_vreg.gather [hbm4b:s6+s4], $0x80, v2, vm0, $0xb8;
	[tilespmem:$0x1E400] =	vst v63  }
0x3d: {  	s18 =	simm.s32 $0x5400  }
0x3e: {  	[tilespmem:s18], [sflag:$0x3] =	stream.indirect_vreg.gather [hbm4b:s7+s4], $0x80, v2, vm0, $0xb8;
	[tilespmem:$0x1E400] =	vst v63  }
0x3f: {  	s19 =	simm.s32 $0x5C00  }
0x40: {  	[tilespmem:s19], [sflag:$0x3] =	stream.indirect_vreg.gather [hbm4b:s8+s4], $0x80, v2, vm0, $0xb8;
	[tilespmem:$0x1E400] =	vst v63  }
0x41: {  	v2 =	vld.msk [tilespmem:$0x18], $0xff;
	_ =	sdelay $0x4  }
0x42: {  	v3 =	vshll.u32 v2, $0x3  }
0x43: {  	v2 =	vand.u32 $0x7, v2;
	v3 =	vand.u32 $0xFFFFFFC0, v3  }
0x44: {  	v2 =	vor.u32 v2, v3  }
0x45: {  	v2 =	vperm.xlane v2, v0;
	_ =	sdelay $0x1  }
0x46: {  	v2 =	vadd.s32 v1, v2;
	_ =	sdelay $0x3  }
0x47: {  	s20 =	simm.s32 $0x6400  }
0x48: {  	[tilespmem:s20], [sflag:$0x4] =	stream.indirect_vreg.gather [hbm4b:s1+s4], $0x80, v2, vm0, $0xb8;
	[tilespmem:$0x1E400] =	vst v63  }
0x49: {  	s14 =	simm.s32 $0x6C00  }
0x4a: {  	[tilespmem:s14], [sflag:$0x4] =	stream.indirect_vreg.gather [hbm4b:s6+s4], $0x80, v2, vm0, $0xb8;
	[tilespmem:$0x1E400] =	vst v63  }
0x4b: {  	s15 =	simm.s32 $0x7400  }
0x4c: {  	[tilespmem:s15], [sflag:$0x4] =	stream.indirect_vreg.gather [hbm4b:s7+s4], $0x80, v2, vm0, $0xb8;
	[tilespmem:$0x1E400] =	vst v63  }
0x4d: {  	s16 =	simm.s32 $0x7C00  }
0x4e: {  	[tilespmem:s16], [sflag:$0x4] =	stream.indirect_vreg.gather [hbm4b:s8+s4], $0x80, v2, vm0, $0xb8;
	[tilespmem:$0x1E400] =	vst v63  }
0x4f: {  	v2 =	vld.msk [tilespmem:$0x20], $0xff;
	_ =	sdelay $0x4  }
0x50: {  	v3 =	vshll.u32 v2, $0x3  }
0x51: {  	v2 =	vand.u32 $0x7, v2;
	v3 =	vand.u32 $0xFFFFFFC0, v3  }
0x52: {  	v2 =	vor.u32 v2, v3  }
0x53: {  	v2 =	vperm.xlane v2, v0;
	_ =	sdelay $0x1  }
0x54: {  	v2 =	vadd.s32 v1, v2;
	_ =	sdelay $0x3  }
0x55: {  	s17 =	simm.s32 $0x8400  }
0x56: {  	[tilespmem:s17], [sflag:$0x5] =	stream.indirect_vreg.gather [hbm4b:s1+s4], $0x80, v2, vm0, $0xb8;
	[tilespmem:$0x1E400] =	vst v63  }
0x57: {  	s18 =	simm.s32 $0x8C00  }
0x58: {  	[tilespmem:s18], [sflag:$0x5] =	stream.indirect_vreg.gather [hbm4b:s6+s4], $0x80, v2, vm0, $0xb8;
	[tilespmem:$0x1E400] =	vst v63  }
0x59: {  	s19 =	simm.s32 $0x9400  }
0x5a: {  	[tilespmem:s19], [sflag:$0x5] =	stream.indirect_vreg.gather [hbm4b:s7+s4], $0x80, v2, vm0, $0xb8;
	[tilespmem:$0x1E400] =	vst v63  }
0x5b: {  	s20 =	simm.s32 $0x9C00  }
0x5c: {  	[tilespmem:s20], [sflag:$0x5] =	stream.indirect_vreg.gather [hbm4b:s8+s4], $0x80, v2, vm0, $0xb8;
	[tilespmem:$0x1E400] =	vst v63  }
0x5d: {  	v2 =	vld.msk [tilespmem:$0x28], $0xff;
	_ =	sdelay $0x4  }
0x5e: {  	v3 =	vshll.u32 v2, $0x3  }
0x5f: {  	v2 =	vand.u32 $0x7, v2;
	v3 =	vand.u32 $0xFFFFFFC0, v3  }
0x60: {  	v2 =	vor.u32 v2, v3  }
0x61: {  	v2 =	vperm.xlane v2, v0;
	_ =	sdelay $0x1  }
0x62: {  	v2 =	vadd.s32 v1, v2;
	_ =	sdelay $0x3  }
0x63: {  	s14 =	simm.s32 $0xA400  }
0x64: {  	[tilespmem:s14], [sflag:$0x6] =	stream.indirect_vreg.gather [hbm4b:s1+s4], $0x80, v2, vm0, $0xb8;
	[tilespmem:$0x1E400] =	vst v63  }
0x65: {  	s15 =	simm.s32 $0xAC00  }
0x66: {  	[tilespmem:s15], [sflag:$0x6] =	stream.indirect_vreg.gather [hbm4b:s6+s4], $0x80, v2, vm0, $0xb8;
	[tilespmem:$0x1E400] =	vst v63  }
0x67: {  	s16 =	simm.s32 $0xB400  }
0x68: {  	[tilespmem:s16], [sflag:$0x6] =	stream.indirect_vreg.gather [hbm4b:s7+s4], $0x80, v2, vm0, $0xb8;
	[tilespmem:$0x1E400] =	vst v63  }
0x69: {  	s17 =	simm.s32 $0xBC00  }
0x6a: {  	[tilespmem:s17], [sflag:$0x6] =	stream.indirect_vreg.gather [hbm4b:s8+s4], $0x80, v2, vm0, $0xb8;
	[tilespmem:$0x1E400] =	vst v63  }
0x6b: {  	v2 =	vld.msk [tilespmem:$0x30], $0xff;
	_ =	sdelay $0x4  }
0x6c: {  	v3 =	vshll.u32 v2, $0x3  }
0x6d: {  	v2 =	vand.u32 $0x7, v2;
	v3 =	vand.u32 $0xFFFFFFC0, v3  }
0x6e: {  	v2 =	vor.u32 v2, v3  }
0x6f: {  	v2 =	vperm.xlane v2, v0;
	_ =	sdelay $0x1  }
0x70: {  	v2 =	vadd.s32 v1, v2;
	_ =	sdelay $0x3  }
0x71: {  	s18 =	simm.s32 $0xC400  }
0x72: {  	[tilespmem:s18], [sflag:$0x7] =	stream.indirect_vreg.gather [hbm4b:s1+s4], $0x80, v2, vm0, $0xb8;
	[tilespmem:$0x1E400] =	vst v63  }
0x73: {  	s19 =	simm.s32 $0xCC00  }
0x74: {  	[tilespmem:s19], [sflag:$0x7] =	stream.indirect_vreg.gather [hbm4b:s6+s4], $0x80, v2, vm0, $0xb8;
	[tilespmem:$0x1E400] =	vst v63  }
0x75: {  	s20 =	simm.s32 $0xD400  }
0x76: {  	[tilespmem:s20], [sflag:$0x7] =	stream.indirect_vreg.gather [hbm4b:s7+s4], $0x80, v2, vm0, $0xb8;
	[tilespmem:$0x1E400] =	vst v63  }
0x77: {  	s14 =	simm.s32 $0xDC00  }
0x78: {  	[tilespmem:s14], [sflag:$0x7] =	stream.indirect_vreg.gather [hbm4b:s8+s4], $0x80, v2, vm0, $0xb8;
	[tilespmem:$0x1E400] =	vst v63  }
0x79: {  	v2 =	vld.msk [tilespmem:$0x38], $0xff;
	_ =	sdelay $0x4  }
0x7a: {  	v3 =	vshll.u32 v2, $0x3  }
0x7b: {  	v2 =	vand.u32 $0x7, v2;
	v3 =	vand.u32 $0xFFFFFFC0, v3  }
0x7c: {  	v2 =	vor.u32 v2, v3  }
0x7d: {  	v2 =	vperm.xlane v2, v0;
	_ =	sdelay $0x1  }
0x7e: {  	v2 =	vadd.s32 v1, v2;
	_ =	sdelay $0x3  }
0x7f: {  	s15 =	simm.s32 $0xE400  }
0x80: {  	[tilespmem:s15], [sflag:$0x8] =	stream.indirect_vreg.gather [hbm4b:s1+s4], $0x80, v2, vm0, $0xb8;
	[tilespmem:$0x1E400] =	vst v63  }
0x81: {  	s16 =	simm.s32 $0xEC00  }
0x82: {  	[tilespmem:s16], [sflag:$0x8] =	stream.indirect_vreg.gather [hbm4b:s6+s4], $0x80, v2, vm0, $0xb8;
	[tilespmem:$0x1E400] =	vst v63  }
0x83: {  	s17 =	simm.s32 $0xF400  }
0x84: {  	[tilespmem:s17], [sflag:$0x8] =	stream.indirect_vreg.gather [hbm4b:s7+s4], $0x80, v2, vm0, $0xb8;
	[tilespmem:$0x1E400] =	vst v63  }
0x85: {  	s18 =	simm.s32 $0xFC00  }
0x86: {  	[tilespmem:s18], [sflag:$0x8] =	stream.indirect_vreg.gather [hbm4b:s8+s4], $0x80, v2, vm0, $0xb8;
	[tilespmem:$0x1E400] =	vst v63  }
0x87: {  	v2 =	vld.msk [tilespmem:$0x40], $0xff;
	_ =	sdelay $0x4  }
0x88: {  	v3 =	vshll.u32 v2, $0x3  }
0x89: {  	v2 =	vand.u32 $0x7, v2;
	v3 =	vand.u32 $0xFFFFFFC0, v3  }
0x8a: {  	v2 =	vor.u32 v2, v3  }
0x8b: {  	v2 =	vperm.xlane v2, v0;
	_ =	sdelay $0x1  }
0x8c: {  	v2 =	vadd.s32 v1, v2;
	_ =	sdelay $0x3  }
0x8d: {  	s19 =	simm.s32 $0x10400  }
0x8e: {  	[tilespmem:s19], [sflag:$0x9] =	stream.indirect_vreg.gather [hbm4b:s1+s4], $0x80, v2, vm0, $0xb8;
	[tilespmem:$0x1E400] =	vst v63  }
0x8f: {  	s20 =	simm.s32 $0x10C00  }
0x90: {  	[tilespmem:s20], [sflag:$0x9] =	stream.indirect_vreg.gather [hbm4b:s6+s4], $0x80, v2, vm0, $0xb8;
	[tilespmem:$0x1E400] =	vst v63  }
0x91: {  	s14 =	simm.s32 $0x11400  }
0x92: {  	[tilespmem:s14], [sflag:$0x9] =	stream.indirect_vreg.gather [hbm4b:s7+s4], $0x80, v2, vm0, $0xb8;
	[tilespmem:$0x1E400] =	vst v63  }
0x93: {  	s15 =	simm.s32 $0x11C00  }
0x94: {  	[tilespmem:s15], [sflag:$0x9] =	stream.indirect_vreg.gather [hbm4b:s8+s4], $0x80, v2, vm0, $0xb8;
	[tilespmem:$0x1E400] =	vst v63  }
0x95: {  	v2 =	vld.msk [tilespmem:$0x48], $0xff;
	_ =	sdelay $0x4  }
0x96: {  	v3 =	vshll.u32 v2, $0x3  }
0x97: {  	v2 =	vand.u32 $0x7, v2;
	v3 =	vand.u32 $0xFFFFFFC0, v3  }
0x98: {  	v2 =	vor.u32 v2, v3  }
0x99: {  	v2 =	vperm.xlane v2, v0;
	_ =	sdelay $0x1  }
0x9a: {  	v2 =	vadd.s32 v1, v2;
	_ =	sdelay $0x3  }
0x9b: {  	s16 =	simm.s32 $0x12400  }
0x9c: {  	[tilespmem:s16], [sflag:$0xA] =	stream.indirect_vreg.gather [hbm4b:s1+s4], $0x80, v2, vm0, $0xb8;
	[tilespmem:$0x1E400] =	vst v63  }
0x9d: {  	s17 =	simm.s32 $0x12C00  }
0x9e: {  	[tilespmem:s17], [sflag:$0xA] =	stream.indirect_vreg.gather [hbm4b:s6+s4], $0x80, v2, vm0, $0xb8;
	[tilespmem:$0x1E400] =	vst v63  }
0x9f: {  	s18 =	simm.s32 $0x13400  }
0xa0: {  	[tilespmem:s18], [sflag:$0xA] =	stream.indirect_vreg.gather [hbm4b:s7+s4], $0x80, v2, vm0, $0xb8;
	[tilespmem:$0x1E400] =	vst v63  }
0xa1: {  	s19 =	simm.s32 $0x13C00  }
0xa2: {  	[tilespmem:s19], [sflag:$0xA] =	stream.indirect_vreg.gather [hbm4b:s8+s4], $0x80, v2, vm0, $0xb8;
	[tilespmem:$0x1E400] =	vst v63  }
0xa3: {  	v2 =	vld.msk [tilespmem:$0x50], $0xff;
	_ =	sdelay $0x4  }
0xa4: {  	v3 =	vshll.u32 v2, $0x3  }
0xa5: {  	v2 =	vand.u32 $0x7, v2;
	v3 =	vand.u32 $0xFFFFFFC0, v3  }
0xa6: {  	v2 =	vor.u32 v2, v3  }
0xa7: {  	v2 =	vperm.xlane v2, v0;
	_ =	sdelay $0x1  }
0xa8: {  	v2 =	vadd.s32 v1, v2;
	_ =	sdelay $0x3  }
0xa9: {  	s20 =	simm.s32 $0x14400  }
0xaa: {  	[tilespmem:s20], [sflag:$0xB] =	stream.indirect_vreg.gather [hbm4b:s1+s4], $0x80, v2, vm0, $0xb8;
	[tilespmem:$0x1E400] =	vst v63  }
0xab: {  	_ = 	snop  }
0xac: {  	[tilespmem:s21], [sflag:$0xB] =	stream.indirect_vreg.gather [hbm4b:s6+s4], $0x80, v2, vm0, $0xb8;
	[tilespmem:$0x1E400] =	vst v63  }
0xad: {  	_ = 	snop  }
0xae: {  	[tilespmem:s22], [sflag:$0xB] =	stream.indirect_vreg.gather [hbm4b:s7+s4], $0x80, v2, vm0, $0xb8;
	[tilespmem:$0x1E400] =	vst v63  }
0xaf: {  	s31 =	simm.s32 $0x58;
	s12 =	smov.u32 s0;
	s14 =	simm.s32 $0x0  }
0xb0: {  	[tilespmem:s23], [sflag:$0xB] =	stream.indirect_vreg.gather [hbm4b:s8+s4], $0x80, v2, vm0, $0xb8;
	[tilespmem:$0x1E400] =	vst v63  }
.LBB2_2:
0xb1: {  	s15 =	sand.u32 $0xFF, s14  }
0xb2: {  	s16 =	smul.u32 $0xAB, s15;
	_ =	sdelay $0x1  }
0xb3: {  	s15 =	smul.u32 $0xAB, s14;
	s16 =	sshrl.u32 s16, $0xB  }
0xb4: {  	s18 =	sadd.s32 $0x2, s14;
	s16 =	smul.u32 $0xC, s16  }
0xb5: {  	s19 =	sand.u32 $0xFF, s18;
	s17 =	sshrl.u32 s15, $0x9  }
0xb6: {  	s19 =	smul.u32 $0xAB, s19;
	s17 =	sand.u32 $0x7F, s17;
	s16 =	ssub.s32 s14, s16  }
0xb7: {  	s17 =	smul.u32 $0x3, s17;
	s16 =	sand.u32 $0xFF, s16  }
0xb8: {  	s19 =	sshrl.u32 s19, $0x9;
	s20 =	sadd.s32 $0x1, s16  }
0xb9: {  	s19 =	smul.u32 $0x3, s19;
	s17 =	ssub.s32 s14, s17;
	_ =	swait.ge [sflag:s20], $0x2000  }
0xba: {  	p0 =	slt.u32 s14, $0x3;
	s17 =	sand.u32 $0xFF, s17;
	[sflag:s20] =	ssyncset.done $0x0  }
0xbb: {  	s18 =	ssub.s32 s18, s19;
	[sflag:s20] =	ssyncadd.s32 $0xFFFFE000;
	s20 =	sadd.s32 @!p0 $0x10, s17  }
0xbc: {  	s16 =	sshll.u32 s16, $0xD;
	s19 =	sadd.s32 s17, s9;
	_ =	swait.ge @!p0 [sflag:s20], $0x400  }
0xbd: {  	s16 =	sor.u32 $0x400, s16;
	s19 =	sshll.u32 s19, $0xD;
	[sflag:s20] =	ssyncset.done @!p0 $0x0  }
0xbe: {  	s17 =	sadd.s32 $0xD, s17;
	s19 =	sadd.s32 s19, s3;
	[sflag:s20] =	ssyncadd.s32 @!p0 $0xFFFFFC00  }
0xbf: {  	[spmem:s19] =	stream.linear.scatter [tilespmem:s16], [sflag:s17], $0x2000, $0x38;
	[tilespmem:$0x1E400] =	vst v63  }
0xc0: {  	p0 =	seq.s32 s14, $0x0;
	s16 =	sand.u32 $0xFF, s18  }
0xc1: {  	s19 =	sshll.u32 @!p0 s2, $0x6;
	s17 =	sadd.s32 @!p0 $0xD, s16;
	s18 =	sadd.s32 @!p0 s16, s9  }
0xc2: {  	p1 =	sgt.u32 @!p0 s14, $0x74;
	_ =	swait.ge @!p0 [sflag:s17], $0x2000;
	s18 =	sshll.u32 @!p0 s18, $0xD  }
0xc3: {  	s16 =	sadd.s32 @!p0 s19, s16;
	[sflag:s17] =	ssyncset.done @!p0 $0x0;
	s18 =	sadd.s32 @!p0 s18, s3  }
0xc4: {  	s16 =	sadd.s32 @!p0 $0x1C10, s16;
	[sflag:s17] =	ssyncadd.s32 @!p0 $0xFFFFE000;
	s17 =	sshrl.u32 @!p0 s18, $0x3  }
0xc5: {  	[hbm:s12], [sflag:s16] =	dma.local @!p0 [spmem:s17], $0x400  }
0xc6: {  	p0 =	por p0, !p1  }
0xc7: {  	v2 =	vld.msk @p0 [tilespmem:s31+$0x0], $0xff;
	_ =	sdelay $0x4  }
0xc8: {  	s15 =	sadd.s32 @p0 $0x759, s15;
	v3 =	vshll.u32 @p0 v2, $0x3  }
0xc9: {  	s15 =	sshrl.u32 @p0 s15, $0xB;
	v2 =	vand.u32 @p0 $0x7, v2;
	v3 =	vand.u32 @p0 $0xFFFFFFC0, v3  }
0xca: {  	s15 =	sand.u32 @p0 $0x1F, s15;
	v2 =	vor.u32 @p0 v2, v3  }
0xcb: {  	s15 =	smul.u32 @p0 $0xC, s15;
	v2 =	vperm.xlane @p0 v2, v0;
	_ =	sdelay $0x1  }
0xcc: {  	s15 =	ssub.s32 @p0 s14, s15;
	v2 =	vadd.s32 @p0 v1, v2  }
0xcd: {  	s15 =	sadd.s32 @p0 $0xB, s15  }
0xce: {  	s15 =	sand.u32 @p0 $0xFF, s15  }
0xcf: {  	s16 =	sshll.u32 @p0 s15, $0xD  }
0xd0: {  	s15 =	sadd.s32 @p0 $0x1, s15;
	s17 =	sor.u32 @p0 $0x400, s16  }
0xd1: {  	[tilespmem:s17], [sflag:s15] =	stream.indirect_vreg.gather @p0 [hbm4b:s1+s4], $0x80, v2, vm0, $0xb8;
	[tilespmem:$0x1E400] =	vst v63  }
0xd2: {  	s17 =	sor.u32 @p0 $0xC00, s16  }
0xd3: {  	[tilespmem:s17], [sflag:s15] =	stream.indirect_vreg.gather @p0 [hbm4b:s6+s4], $0x80, v2, vm0, $0xb8;
	[tilespmem:$0x1E400] =	vst v63  }
0xd4: {  	s17 =	sor.u32 @p0 $0x1400, s16  }
0xd5: {  	[tilespmem:s17], [sflag:s15] =	stream.indirect_vreg.gather @p0 [hbm4b:s7+s4], $0x80, v2, vm0, $0xb8;
	[tilespmem:$0x1E400] =	vst v63  }
0xd6: {  	s14 =	sadd.s32 $0x1, s14;
	s16 =	sor.u32 @p0 $0x1C00, s16  }
0xd7: {  	[tilespmem:s16], [sflag:s15] =	stream.indirect_vreg.gather @p0 [hbm4b:s8+s4], $0x80, v2, vm0, $0xb8;
	[tilespmem:$0x1E400] =	vst v63  }
0xd8: {  	p0 =	sne.s32 s14, $0x80  }
.Ltmp0:
0xd9: {  	_ = 	snop;
	(pc) =	sbr.rel @p0 .LBB2_2-.Ltmp0, $2  }
0xda: {  	_ =	sdelay $0x2  }
0xdb: {  	s12 =	sadd.s32 $0x400, s12;
	s31 =	sadd.s32 $0x8, s31  }
0xdc: {  	_ =	swait.ge [sflag:s24], $0x2000  }
0xdd: {  	s12 =	sshll.u32 s2, $0x6;
	[sflag:s24] =	ssyncset.done $0x0  }
0xde: {  	s12 =	sor.u32 $0x1C11, s12;
	[sflag:s24] =	ssyncadd.s32 $0xFFFFE000  }
0xdf: {  	[hbm:s10], [sflag:s12] =	dma.local [spmem:s25], $0x400  }
0xe0: {  	_ =	swait.ge [sflag:s26], $0x400  }
0xe1: {  	[sflag:s26] =	ssyncset.done $0x0  }
0xe2: {  	s30 =	sadd.s32 $0x1, s30;
	[sflag:s26] =	ssyncadd.s32 $0xFFFFFC00  }
0xe3: {  	p0 =	sne.s32 s30, s11;
	_ =	swait.ge [sflag:s28], $0x400  }
.Ltmp1:
0xe4: {  	[sflag:s28] =	ssyncset.done $0x0;
	(pc) =	sbr.rel @p0 .LBB2_1-.Ltmp1, $4  }
0xe5: {  	[sflag:s28] =	ssyncadd.s32 $0xFFFFFC00  }
0xe6: {  	_ =	swait.ge [sflag:s29], $0x400  }
0xe7: {  	[sflag:s29] =	ssyncset.done $0x0  }
0xe8: {  	[sflag:s29] =	ssyncadd.s32 $0xFFFFFC00  }
0xe9: {  	_ =	sfence.sel $0x180000  }
0xea: {  	[bflag:$0x0] =	sbarrier.arrive $0xFFFF  }
0xeb: {  	_ =	strace $0x90000047  }
0xec: {  	[bflag:$0x2] =	sbarrier.arrive $0xFFFF  }
0xed: {  	p0 =	sne.s32 s2, $0x0;
	s0 =	rddreg [dreg:$0x4]  }
0xee: {  	s0 =	sadd.s32 @!p0 $0x100000, s0  }
0xef: {  	[sflag:s0] =	ssyncadd.tile.s32 @!p0 $0x1;
	_ =	shalt  }
.Lfunc_end2:
_tile_overlayer_lowered:
.L_overlay_start_2:
0xf0: {  	(tag) =	ssettag $0x2  }
0xf1: {  	s0 =	rddreg [dreg:$0x0];
	s2 =	stileid.u32  }
0xf2: {  	s1 =	rddreg [dreg:$0x1];
	p0 =	sne.s32 s2, $0x0  }
0xf3: {  	s3 =	rddreg [dreg:$0x2];
	[bflag:$0x3] =	sbarrier.arrive $0xFFFF;
	s2 =	simm.s32 @!p0 $0x1C13  }
0xf4: {  	[timem:s3], [sflag:s2] =	dma.local @!p0 [hbm:s0], s1  }
0xf5: {  	s0 =	simm.s32 @!p0 $0x13  }
0xf6: {  	_ =	swait.ge @!p0 [sflag:s0], s1  }
0xf7: {  	s1 =	ssub.s32 @!p0 $0x0, s1;
	[sflag:s0] =	ssyncset.done @!p0 $0x0  }
0xf8: {  	[sflag:s0] =	ssyncadd.s32 @!p0 s1  }
0xf9: {  	[bflag:$0x3] =	sbarrier.arrive $0xFFFF  }
0xfa: {  	_ =	shalt  }

</sc_bundles>
